<compile_context>
chip_gen: v7x
topology: tpu7x:2x2x1
jax: 0.10.2.dev20260603
libtpu: 0.0.44.dev20260713+nightly
codegen_flags: <defaults>
</compile_context>

<pallas_src>
import functools

import numpy as np

import jax
import jax.numpy as jnp
from jax import lax
from jax.experimental import pallas as pl
from jax.experimental.pallas import tpu as pltpu
from jax.experimental.pallas import tpu_sc as plsc

N_NODES = 10000
N_GROUND = 320000
D = 128
K = 3

NC = 2
NS = 16
NW = NC * NS

B_PER_W = N_GROUND // NW
CH = 40
N_CHUNK = B_PER_W // CH

_SIGN = np.uint32(0x80000000)


def _scale_body(w_ref, x_ref, o_ref):
    i = pl.program_id(0)
    o_ref[...] = x_ref[...] * (w_ref[i] * 2.0)


def _scale_table(x, weights):
    return pl.pallas_call(
        _scale_body,
        grid=(K,),
        in_specs=[
            pl.BlockSpec(memory_space=pltpu.SMEM),
            pl.BlockSpec((N_NODES, D), lambda i: (0, 0)),
        ],
        out_specs=pl.BlockSpec((N_NODES, D), lambda i: (i, 0)),
        out_shape=jax.ShapeDtypeStruct((K * N_NODES, D), jnp.float32),
    )(weights, x)


def _sc_body(t_hbm, idx_hbm, out_hbm,
             idx_v, r_a, r_b, o_a, o_b,
             gsem_a, gsem_b, osem_a, osem_b):
    wid = lax.axis_index("s") * NC + lax.axis_index("c")
    base = wid * B_PER_W

    r_bufs = (r_a, r_b)
    o_bufs = (o_a, o_b)
    gsems = (gsem_a, gsem_b)
    osems = (osem_a, osem_b)

    pltpu.sync_copy(idx_hbm.at[wid], idx_v)

    def gather(c, b):
        return pltpu.make_async_copy(t_hbm.at[idx_v.at[c]], r_bufs[b], gsems[b])

    def outcp(c, b):
        return pltpu.make_async_copy(
            o_bufs[b], out_hbm.at[pl.ds(base + c * CH, CH)], osems[b])

    def compute(b):
        rv = r_bufs[b]
        ov = o_bufs[b]

        def row_body(r, rc):
            for c8 in range(D // 16):
                sl = pl.ds(c8 * 16, 16)
                z2 = rv[r, sl] + rv[r + CH, sl] + rv[r + 2 * CH, sl]
                zb = lax.bitcast_convert_type(z2, jnp.uint32)
                e = jnp.exp(lax.bitcast_convert_type(zb | _SIGN, jnp.float32))
                y = (1.0 - e) / (1.0 + e)
                yb = lax.bitcast_convert_type(y, jnp.uint32) | (zb & _SIGN)
                ov[r, sl] = lax.bitcast_convert_type(yb, jnp.float32)
            return rc

        lax.fori_loop(0, CH, row_body, 0)

    gather(0, 0).start()

    def outer(o, carry):
        for b in range(2):
            c = o * 2 + b
            nb = (b + 1) % 2

            @pl.when(c + 1 < N_CHUNK)
            def _():
                gather(c + 1, nb).start()

            gather(c, b).wait()

            @pl.when(c >= 2)
            def _():
                outcp(c - 2, b).wait()

            compute(b)
            outcp(c, b).start()
        return carry

    lax.fori_loop(0, N_CHUNK // 2, outer, 0)
    outcp(N_CHUNK - 2, 0).wait()
    outcp(N_CHUNK - 1, 1).wait()


@jax.jit
def kernel(x, gather_indices, weights):
    idx_s = gather_indices + (jnp.arange(K, dtype=jnp.int32) * N_NODES)[:, None]
    idx_r = (idx_s.reshape(K, NW, N_CHUNK, CH)
             .transpose(1, 2, 0, 3)
             .reshape(NW, N_CHUNK, K * CH))
    t = _scale_table(x, weights)
    mesh = plsc.VectorSubcoreMesh(core_axis_name="c", subcore_axis_name="s")
    f = functools.partial(
        pl.kernel,
        mesh=mesh,
        out_type=jax.ShapeDtypeStruct((N_GROUND, D), jnp.float32),
        scratch_types=[
            pltpu.VMEM((N_CHUNK, K * CH), jnp.int32),
            pltpu.VMEM((K * CH, D), jnp.float32),
            pltpu.VMEM((K * CH, D), jnp.float32),
            pltpu.VMEM((CH, D), jnp.float32),
            pltpu.VMEM((CH, D), jnp.float32),
            pltpu.SemaphoreType.DMA,
            pltpu.SemaphoreType.DMA,
            pltpu.SemaphoreType.DMA,
            pltpu.SemaphoreType.DMA,
        ],
    )(_sc_body)
    return f(t, idx_r)

# --- scband reference (transcript-rebuilt; emitter-appended) ---
"""Pipeline reference for scband-weighted-rule-layer-73366631350443 (READ-ONLY COPY).

The authoritative reference and input builder live on the scoring server;
editing this copy changes nothing except your own understanding.
"""

import jax, jax.numpy as jnp
import numpy as np

N_NODES = 10000
N_GROUND = 320000
D_FEAT = 128
K_WEIGHTS = 3


def setup_inputs(seed: int = 0) -> dict:
    key = jax.random.key(seed)
    k1, k2, k3 = jax.random.split(key, 3)
    # layer_values flattened into a single node-feature tensor (the gathers index into it)
    x = jax.random.normal(k1, (N_NODES, D_FEAT), dtype=jnp.float32)
    # one gather index list per rule-body weight: for each grounding, which input neuron to read
    gather_indices = jax.random.randint(k2, (K_WEIGHTS, N_GROUND), 0, N_NODES, dtype=jnp.int32)
    # learnable scalar rule weights (Weight.apply_to with scalar value)
    weights = jax.random.normal(k3, (K_WEIGHTS,), dtype=jnp.float32)
    return {"x": x, "gather_indices": gather_indices, "weights": weights}


def reference(x, gather_indices, weights):
    # For each weight i: gather the i-th body-atom input values for every grounding,
    # apply the (scalar) weight, then broadcast-stack, sum over weights, tanh.
    ys = []
    for i in range(K_WEIGHTS):
        inp = jnp.take(x, gather_indices[i], axis=0)  # WEIGHTED_RULE_GATHER -> [E, d]
        y_this = weights[i] * inp                     # WEIGHTED_RULE_LINEAR
        ys.append(y_this)
    y = jnp.sum(jnp.stack(ys, axis=0), axis=0)        # BROADCAST_STACK + SUM
    y = jnp.tanh(y)                                   # TANH
    return y

if __name__ == "__main__":
    import jax
    _d = setup_inputs()
    print(jax.jit(kernel)(*tuple(_d.values())))

</pallas_src>

<mosaic_0001>
#map = affine_map<(d0, d1) -> (0, 0)>
#map1 = affine_map<(d0, d1) -> (0, 0, 0)>
module attributes {stable_mosaic.version = 14 : i64} {
  func.func @_sc_body(%arg0: i32, %arg1: i32, %arg2: memref<30000x128xf32, #tpu.memory_space<hbm>>, %arg3: memref<32x250x120xi32, #tpu.memory_space<hbm>>, %arg4: memref<320000x128xf32, #tpu.memory_space<hbm>>, %arg5: memref<250x120xi32, #tpu.memory_space<vmem>>, %arg6: memref<120x128xf32, #tpu.memory_space<vmem>>, %arg7: memref<120x128xf32, #tpu.memory_space<vmem>>, %arg8: memref<40x128xf32, #tpu.memory_space<vmem>>, %arg9: memref<40x128xf32, #tpu.memory_space<vmem>>, %arg10: memref<!tpu.dma_semaphore, #tpu.memory_space<semaphore_mem>>, %arg11: memref<!tpu.dma_semaphore, #tpu.memory_space<semaphore_mem>>, %arg12: memref<!tpu.dma_semaphore, #tpu.memory_space<semaphore_mem>>, %arg13: memref<!tpu.dma_semaphore, #tpu.memory_space<semaphore_mem>>) attributes {dimension_semantics = [#tpu.dimension_semantics<core_parallel>, #tpu.dimension_semantics<subcore_parallel>], iteration_bounds = array<i64: 2, 16>, scalar_prefetch = 0 : i64, scratch_operands = 9 : i64, tpu.core_type = #tpu.core_type<sc_vector_subcore>, window_params = [{transform_indices = #map}, {transform_indices = #map1}, {transform_indices = #map}]} {
    %mul3A = arith.constant 2 : i32
    %mul3A_0 = arith.muli %arg1, %mul3A : i32
    %add3A = arith.addi %mul3A_0, %arg0 : i32
    %mul3A_1 = arith.constant 10000 : i32
    %mul3A_2 = arith.muli %add3A, %mul3A_1 : i32
    "tpu.region"() ({
      %run_scoped3A = tpu.sem_alloc : memref<!tpu.dma_semaphore, #tpu.memory_space<semaphore_mem>>
      %dma_start3A_25 = arith.constant 0 : i32
      %dma_start3A_26 = arith.constant 0 : i32
      %dma_start3A_27 = tpu.memref_slice %arg3[%add3A, %dma_start3A_25, %dma_start3A_26] : memref<32x250x120xi32, #tpu.memory_space<hbm>> -> memref<1x250x120xi32, #tpu.memory_space<hbm>>
      %dma_start3A_28 = tpu.memref_squeeze %dma_start3A_27 : memref<1x250x120xi32, #tpu.memory_space<hbm>> -> memref<250x120xi32, #tpu.memory_space<hbm>>
      %dma_start3A_29 = arith.constant 0 : i32
      %dma_start3A_30 = arith.constant 0 : i32
      %dma_start3A_31 = tpu.memref_slice %arg3[%add3A, %dma_start3A_29, %dma_start3A_30] : memref<32x250x120xi32, #tpu.memory_space<hbm>> -> memref<1x250x120xi32, #tpu.memory_space<hbm>>
      %dma_start3A_32 = tpu.memref_squeeze %dma_start3A_31 : memref<1x250x120xi32, #tpu.memory_space<hbm>> -> memref<250x120xi32, #tpu.memory_space<hbm>>
      tpu.enqueue_dma source(%dma_start3A_32 : memref<250x120xi32, #tpu.memory_space<hbm>>) target(%arg5 : memref<250x120xi32, #tpu.memory_space<vmem>>) target_semaphore(%run_scoped3A : memref<!tpu.dma_semaphore, #tpu.memory_space<semaphore_mem>>)
      %dma_wait3A_33 = arith.constant 0 : i32
      %dma_wait3A_34 = arith.constant 0 : i32
      %dma_wait3A_35 = tpu.memref_slice %arg3[%add3A, %dma_wait3A_33, %dma_wait3A_34] : memref<32x250x120xi32, #tpu.memory_space<hbm>> -> memref<1x250x120xi32, #tpu.memory_space<hbm>>
      %dma_wait3A_36 = tpu.memref_squeeze %dma_wait3A_35 : memref<1x250x120xi32, #tpu.memory_space<hbm>> -> memref<250x120xi32, #tpu.memory_space<hbm>>
      %dma_wait3A_37 = arith.constant 0 : i32
      %dma_wait3A_38 = arith.constant 0 : i32
      %dma_wait3A_39 = tpu.memref_slice %arg3[%add3A, %dma_wait3A_37, %dma_wait3A_38] : memref<32x250x120xi32, #tpu.memory_space<hbm>> -> memref<1x250x120xi32, #tpu.memory_space<hbm>>
      %dma_wait3A_40 = tpu.memref_squeeze %dma_wait3A_39 : memref<1x250x120xi32, #tpu.memory_space<hbm>> -> memref<250x120xi32, #tpu.memory_space<hbm>>
      tpu.wait_dma2 semaphore(%run_scoped3A : memref<!tpu.dma_semaphore, #tpu.memory_space<semaphore_mem>>) src(%dma_wait3A_40 : memref<250x120xi32, #tpu.memory_space<hbm>>) dst(%arg5 : memref<250x120xi32, #tpu.memory_space<vmem>>)
      tpu.yield
    }) : () -> ()
    %dma_start3A = arith.constant 0 : i32
    %dma_start3A_3 = arith.constant 0 : i32
    %dma_start3A_4 = tpu.memref_slice %arg5[%dma_start3A, %dma_start3A_3] : memref<250x120xi32, #tpu.memory_space<vmem>> -> memref<1x120xi32, #tpu.memory_space<vmem>>
    %dma_start3A_5 = tpu.memref_squeeze %dma_start3A_4 : memref<1x120xi32, #tpu.memory_space<vmem>> -> memref<120xi32, #tpu.memory_space<vmem>>
    %dma_start3A_6 = arith.constant 0 : i32
    %dma_start3A_7 = arith.constant 0 : i32
    %dma_start3A_8 = tpu.memref_slice %arg2[%dma_start3A_6, %dma_start3A_7] : memref<30000x128xf32, #tpu.memory_space<hbm>> -> memref<30000x128xf32, #tpu.memory_space<hbm>>
    tpu.enqueue_indirect_dma source(%dma_start3A_8 : memref<30000x128xf32, #tpu.memory_space<hbm>>) target(%arg6 : memref<120x128xf32, #tpu.memory_space<vmem>>) offsets(%dma_start3A_5 : memref<120xi32, #tpu.memory_space<vmem>>) semaphore(%arg10 : memref<!tpu.dma_semaphore, #tpu.memory_space<semaphore_mem>>)
    %scan3A = arith.constant 0 : i32
    %scan3A_9 = arith.constant 0 : i32
    %scan3A_10 = arith.constant 125 : i32
    %scan3A_11 = arith.addi %scan3A_9, %scan3A_10 : i32
    %scan3A_12 = arith.constant 1 : i32
    scf.for %scan3A_25 = %scan3A_9 to %scan3A_11 step %scan3A_12  : i32 {
      %mul3A_26 = arith.constant 2 : i32
      %mul3A_27 = arith.muli %scan3A_25, %mul3A_26 : i32
      %add3A_28 = arith.constant 0 : i32
      %add3A_29 = arith.addi %mul3A_27, %add3A_28 : i32
      %add3A_30 = arith.constant 1 : i32
      %add3A_31 = arith.addi %add3A_29, %add3A_30 : i32
      %lt3A = arith.constant 250 : i32
      %lt3A_32 = arith.cmpi slt, %add3A_31, %lt3A : i32
      %convert_element_type3A = arith.extui %lt3A_32 : i1 to i32
      %cond3A = arith.constant 0 : i32
      %cond3A_33 = arith.cmpi ne, %convert_element_type3A, %cond3A : i32
      scf.if %cond3A_33 {
        %add3A_92 = arith.constant 1 : i32
        %add3A_93 = arith.addi %add3A_29, %add3A_92 : i32
        %dma_start3A_94 = arith.constant 0 : i32
        %dma_start3A_95 = tpu.memref_slice %arg5[%add3A_93, %dma_start3A_94] : memref<250x120xi32, #tpu.memory_space<vmem>> -> memref<1x120xi32, #tpu.memory_space<vmem>>
        %dma_start3A_96 = tpu.memref_squeeze %dma_start3A_95 : memref<1x120xi32, #tpu.memory_space<vmem>> -> memref<120xi32, #tpu.memory_space<vmem>>
        %dma_start3A_97 = arith.constant 0 : i32
        %dma_start3A_98 = arith.constant 0 : i32
        %dma_start3A_99 = tpu.memref_slice %arg2[%dma_start3A_97, %dma_start3A_98] : memref<30000x128xf32, #tpu.memory_space<hbm>> -> memref<30000x128xf32, #tpu.memory_space<hbm>>
        tpu.enqueue_indirect_dma source(%dma_start3A_99 : memref<30000x128xf32, #tpu.memory_space<hbm>>) target(%arg7 : memref<120x128xf32, #tpu.memory_space<vmem>>) offsets(%dma_start3A_96 : memref<120xi32, #tpu.memory_space<vmem>>) semaphore(%arg11 : memref<!tpu.dma_semaphore, #tpu.memory_space<semaphore_mem>>)
      } else {
      }
      %dma_wait3A_34 = arith.constant 0 : i32
      %dma_wait3A_35 = tpu.memref_slice %arg5[%add3A_29, %dma_wait3A_34] : memref<250x120xi32, #tpu.memory_space<vmem>> -> memref<1x120xi32, #tpu.memory_space<vmem>>
      %dma_wait3A_36 = tpu.memref_squeeze %dma_wait3A_35 : memref<1x120xi32, #tpu.memory_space<vmem>> -> memref<120xi32, #tpu.memory_space<vmem>>
      %dma_wait3A_37 = arith.constant 0 : i32
      %dma_wait3A_38 = arith.constant 0 : i32
      %dma_wait3A_39 = tpu.memref_slice %arg2[%dma_wait3A_37, %dma_wait3A_38] : memref<30000x128xf32, #tpu.memory_space<hbm>> -> memref<30000x128xf32, #tpu.memory_space<hbm>>
      tpu.wait_indirect_dma semaphore(%arg10 : memref<!tpu.dma_semaphore, #tpu.memory_space<semaphore_mem>>) src(%dma_wait3A_39 : memref<30000x128xf32, #tpu.memory_space<hbm>>) dst(%arg6 : memref<120x128xf32, #tpu.memory_space<vmem>>)
      %ge3A = arith.constant 2 : i32
      %ge3A_40 = arith.cmpi sge, %add3A_29, %ge3A : i32
      %convert_element_type3A_41 = arith.extui %ge3A_40 : i1 to i32
      %cond3A_42 = arith.constant 0 : i32
      %cond3A_43 = arith.cmpi ne, %convert_element_type3A_41, %cond3A_42 : i32
      scf.if %cond3A_43 {
        %sub3A = arith.constant 2 : i32
        %sub3A_92 = arith.subi %add3A_29, %sub3A : i32
        %mul3A_93 = arith.constant 40 : i32
        %mul3A_94 = arith.muli %sub3A_92, %mul3A_93 : i32
        %add3A_95 = arith.addi %mul3A_2, %mul3A_94 : i32
        %dma_wait3A_96 = arith.constant 0 : i32
        %dma_wait3A_97 = tpu.memref_slice %arg4[%add3A_95, %dma_wait3A_96] : memref<320000x128xf32, #tpu.memory_space<hbm>> -> memref<40x128xf32, #tpu.memory_space<hbm>>
        %dma_wait3A_98 = arith.constant 0 : i32
        %dma_wait3A_99 = tpu.memref_slice %arg4[%add3A_95, %dma_wait3A_98] : memref<320000x128xf32, #tpu.memory_space<hbm>> -> memref<40x128xf32, #tpu.memory_space<hbm>>
        tpu.wait_dma2 semaphore(%arg12 : memref<!tpu.dma_semaphore, #tpu.memory_space<semaphore_mem>>) src(%arg8 : memref<40x128xf32, #tpu.memory_space<vmem>>) dst(%dma_wait3A_99 : memref<40x128xf32, #tpu.memory_space<hbm>>)
      } else {
      }
      %scan3A_44 = arith.constant 0 : i32
      %scan3A_45 = arith.constant 0 : i32
      %scan3A_46 = arith.constant 40 : i32
      %scan3A_47 = arith.addi %scan3A_45, %scan3A_46 : i32
      %scan3A_48 = arith.constant 1 : i32
      scf.for %scan3A_92 = %scan3A_45 to %scan3A_47 step %scan3A_48  : i32 {
        %get3A = arith.index_cast %scan3A_92 : i32 to index
        %get3A_93 = arith.constant 0 : index
        %get3A_94 = tpu.vector_load %arg6[%get3A, %get3A_93] {strides = array<i32>} : memref<120x128xf32, #tpu.memory_space<vmem>>, vector<1x16xf32>,
        %get3A_95 = vector.shape_cast %get3A_94 : vector<1x16xf32> to vector<16xf32>
        %add3A_96 = arith.constant 40 : i32
        %add3A_97 = arith.addi %scan3A_92, %add3A_96 : i32
        %get3A_98 = arith.index_cast %add3A_97 : i32 to index
        %get3A_99 = arith.constant 0 : index
        %get3A_100 = tpu.vector_load %arg6[%get3A_98, %get3A_99] {strides = array<i32>} : memref<120x128xf32, #tpu.memory_space<vmem>>, vector<1x16xf32>,
        %get3A_101 = vector.shape_cast %get3A_100 : vector<1x16xf32> to vector<16xf32>
        %add3A_102 = arith.addf %get3A_95, %get3A_101 : vector<16xf32>
        %add3A_103 = arith.constant 80 : i32
        %add3A_104 = arith.addi %scan3A_92, %add3A_103 : i32
        %get3A_105 = arith.index_cast %add3A_104 : i32 to index
        %get3A_106 = arith.constant 0 : index
        %get3A_107 = tpu.vector_load %arg6[%get3A_105, %get3A_106] {strides = array<i32>} : memref<120x128xf32, #tpu.memory_space<vmem>>, vector<1x16xf32>,
        %get3A_108 = vector.shape_cast %get3A_107 : vector<1x16xf32> to vector<16xf32>
        %add3A_109 = arith.addf %add3A_102, %get3A_108 : vector<16xf32>
        %bitcast_convert_type3A = tpu.bitcast %add3A_109 : vector<16xf32> -> vector<16xi32>
        %or3A = arith.constant -2147483648 : i32
        %or3A_110 = vector.broadcast %or3A : i32 to vector<16xi32>
        %or3A_111 = arith.ori %bitcast_convert_type3A, %or3A_110 : vector<16xi32>
        %bitcast_convert_type3A_112 = tpu.bitcast %or3A_111 : vector<16xi32> -> vector<16xf32>
        %exp3A = math.exp %bitcast_convert_type3A_112 : vector<16xf32>
        %sub3A = arith.constant 1.000000e+00 : f32
        %sub3A_113 = vector.broadcast %sub3A : f32 to vector<16xf32>
        %sub3A_114 = arith.subf %sub3A_113, %exp3A : vector<16xf32>
        %add3A_115 = arith.constant 1.000000e+00 : f32
        %add3A_116 = vector.broadcast %add3A_115 : f32 to vector<16xf32>
        %add3A_117 = arith.addf %add3A_116, %exp3A : vector<16xf32>
        %div3A = arith.divf %sub3A_114, %add3A_117 : vector<16xf32>
        %bitcast_convert_type3A_118 = tpu.bitcast %div3A : vector<16xf32> -> vector<16xi32>
        %and3A = arith.constant -2147483648 : i32
        %and3A_119 = vector.broadcast %and3A : i32 to vector<16xi32>
        %and3A_120 = arith.andi %bitcast_convert_type3A, %and3A_119 : vector<16xi32>
        %or3A_121 = arith.ori %bitcast_convert_type3A_118, %and3A_120 : vector<16xi32>
        %bitcast_convert_type3A_122 = tpu.bitcast %or3A_121 : vector<16xi32> -> vector<16xf32>
        %swap3A = arith.index_cast %scan3A_92 : i32 to index
        %swap3A_123 = arith.constant 0 : index
        %swap3A_124 = tpu.vector_load %arg8[%swap3A, %swap3A_123] {strides = array<i32>} : memref<40x128xf32, #tpu.memory_space<vmem>>, vector<1x16xf32>,
        %swap3A_125 = vector.shape_cast %swap3A_124 : vector<1x16xf32> to vector<16xf32>
        %swap3A_126 = vector.shape_cast %bitcast_convert_type3A_122 : vector<16xf32> to vector<1x16xf32>
        tpu.vector_store %arg8[%swap3A, %swap3A_123], %swap3A_126 {strides = array<i32>} : memref<40x128xf32, #tpu.memory_space<vmem>>, vector<1x16xf32>,
        %get3A_127 = arith.index_cast %scan3A_92 : i32 to index
        %get3A_128 = arith.constant 16 : index
        %get3A_129 = tpu.vector_load %arg6[%get3A_127, %get3A_128] {strides = array<i32>} : memref<120x128xf32, #tpu.memory_space<vmem>>, vector<1x16xf32>,
        %get3A_130 = vector.shape_cast %get3A_129 : vector<1x16xf32> to vector<16xf32>
        %add3A_131 = arith.constant 40 : i32
        %add3A_132 = arith.addi %scan3A_92, %add3A_131 : i32
        %get3A_133 = arith.index_cast %add3A_132 : i32 to index
        %get3A_134 = arith.constant 16 : index
        %get3A_135 = tpu.vector_load %arg6[%get3A_133, %get3A_134] {strides = array<i32>} : memref<120x128xf32, #tpu.memory_space<vmem>>, vector<1x16xf32>,
        %get3A_136 = vector.shape_cast %get3A_135 : vector<1x16xf32> to vector<16xf32>
        %add3A_137 = arith.addf %get3A_130, %get3A_136 : vector<16xf32>
        %add3A_138 = arith.constant 80 : i32
        %add3A_139 = arith.addi %scan3A_92, %add3A_138 : i32
        %get3A_140 = arith.index_cast %add3A_139 : i32 to index
        %get3A_141 = arith.constant 16 : index
        %get3A_142 = tpu.vector_load %arg6[%get3A_140, %get3A_141] {strides = array<i32>} : memref<120x128xf32, #tpu.memory_space<vmem>>, vector<1x16xf32>,
        %get3A_143 = vector.shape_cast %get3A_142 : vector<1x16xf32> to vector<16xf32>
        %add3A_144 = arith.addf %add3A_137, %get3A_143 : vector<16xf32>
        %bitcast_convert_type3A_145 = tpu.bitcast %add3A_144 : vector<16xf32> -> vector<16xi32>
        %or3A_146 = arith.constant -2147483648 : i32
        %or3A_147 = vector.broadcast %or3A_146 : i32 to vector<16xi32>
        %or3A_148 = arith.ori %bitcast_convert_type3A_145, %or3A_147 : vector<16xi32>
        %bitcast_convert_type3A_149 = tpu.bitcast %or3A_148 : vector<16xi32> -> vector<16xf32>
        %exp3A_150 = math.exp %bitcast_convert_type3A_149 : vector<16xf32>
        %sub3A_151 = arith.constant 1.000000e+00 : f32
        %sub3A_152 = vector.broadcast %sub3A_151 : f32 to vector<16xf32>
        %sub3A_153 = arith.subf %sub3A_152, %exp3A_150 : vector<16xf32>
        %add3A_154 = arith.constant 1.000000e+00 : f32
        %add3A_155 = vector.broadcast %add3A_154 : f32 to vector<16xf32>
        %add3A_156 = arith.addf %add3A_155, %exp3A_150 : vector<16xf32>
        %div3A_157 = arith.divf %sub3A_153, %add3A_156 : vector<16xf32>
        %bitcast_convert_type3A_158 = tpu.bitcast %div3A_157 : vector<16xf32> -> vector<16xi32>
        %and3A_159 = arith.constant -2147483648 : i32
        %and3A_160 = vector.broadcast %and3A_159 : i32 to vector<16xi32>
        %and3A_161 = arith.andi %bitcast_convert_type3A_145, %and3A_160 : vector<16xi32>
        %or3A_162 = arith.ori %bitcast_convert_type3A_158, %and3A_161 : vector<16xi32>
        %bitcast_convert_type3A_163 = tpu.bitcast %or3A_162 : vector<16xi32> -> vector<16xf32>
        %swap3A_164 = arith.index_cast %scan3A_92 : i32 to index
        %swap3A_165 = arith.constant 16 : index
        %swap3A_166 = tpu.vector_load %arg8[%swap3A_164, %swap3A_165] {strides = array<i32>} : memref<40x128xf32, #tpu.memory_space<vmem>>, vector<1x16xf32>,
        %swap3A_167 = vector.shape_cast %swap3A_166 : vector<1x16xf32> to vector<16xf32>
        %swap3A_168 = vector.shape_cast %bitcast_convert_type3A_163 : vector<16xf32> to vector<1x16xf32>
        tpu.vector_store %arg8[%swap3A_164, %swap3A_165], %swap3A_168 {strides = array<i32>} : memref<40x128xf32, #tpu.memory_space<vmem>>, vector<1x16xf32>,
        %get3A_169 = arith.index_cast %scan3A_92 : i32 to index
        %get3A_170 = arith.constant 32 : index
        %get3A_171 = tpu.vector_load %arg6[%get3A_169, %get3A_170] {strides = array<i32>} : memref<120x128xf32, #tpu.memory_space<vmem>>, vector<1x16xf32>,
        %get3A_172 = vector.shape_cast %get3A_171 : vector<1x16xf32> to vector<16xf32>
        %add3A_173 = arith.constant 40 : i32
        %add3A_174 = arith.addi %scan3A_92, %add3A_173 : i32
        %get3A_175 = arith.index_cast %add3A_174 : i32 to index
        %get3A_176 = arith.constant 32 : index
        %get3A_177 = tpu.vector_load %arg6[%get3A_175, %get3A_176] {strides = array<i32>} : memref<120x128xf32, #tpu.memory_space<vmem>>, vector<1x16xf32>,
        %get3A_178 = vector.shape_cast %get3A_177 : vector<1x16xf32> to vector<16xf32>
        %add3A_179 = arith.addf %get3A_172, %get3A_178 : vector<16xf32>
        %add3A_180 = arith.constant 80 : i32
        %add3A_181 = arith.addi %scan3A_92, %add3A_180 : i32
        %get3A_182 = arith.index_cast %add3A_181 : i32 to index
        %get3A_183 = arith.constant 32 : index
        %get3A_184 = tpu.vector_load %arg6[%get3A_182, %get3A_183] {strides = array<i32>} : memref<120x128xf32, #tpu.memory_space<vmem>>, vector<1x16xf32>,
        %get3A_185 = vector.shape_cast %get3A_184 : vector<1x16xf32> to vector<16xf32>
        %add3A_186 = arith.addf %add3A_179, %get3A_185 : vector<16xf32>
        %bitcast_convert_type3A_187 = tpu.bitcast %add3A_186 : vector<16xf32> -> vector<16xi32>
        %or3A_188 = arith.constant -2147483648 : i32
        %or3A_189 = vector.broadcast %or3A_188 : i32 to vector<16xi32>
        %or3A_190 = arith.ori %bitcast_convert_type3A_187, %or3A_189 : vector<16xi32>
        %bitcast_convert_type3A_191 = tpu.bitcast %or3A_190 : vector<16xi32> -> vector<16xf32>
        %exp3A_192 = math.exp %bitcast_convert_type3A_191 : vector<16xf32>
        %sub3A_193 = arith.constant 1.000000e+00 : f32
        %sub3A_194 = vector.broadcast %sub3A_193 : f32 to vector<16xf32>
        %sub3A_195 = arith.subf %sub3A_194, %exp3A_192 : vector<16xf32>
        %add3A_196 = arith.constant 1.000000e+00 : f32
        %add3A_197 = vector.broadcast %add3A_196 : f32 to vector<16xf32>
        %add3A_198 = arith.addf %add3A_197, %exp3A_192 : vector<16xf32>
        %div3A_199 = arith.divf %sub3A_195, %add3A_198 : vector<16xf32>
        %bitcast_convert_type3A_200 = tpu.bitcast %div3A_199 : vector<16xf32> -> vector<16xi32>
        %and3A_201 = arith.constant -2147483648 : i32
        %and3A_202 = vector.broadcast %and3A_201 : i32 to vector<16xi32>
        %and3A_203 = arith.andi %bitcast_convert_type3A_187, %and3A_202 : vector<16xi32>
        %or3A_204 = arith.ori %bitcast_convert_type3A_200, %and3A_203 : vector<16xi32>
        %bitcast_convert_type3A_205 = tpu.bitcast %or3A_204 : vector<16xi32> -> vector<16xf32>
        %swap3A_206 = arith.index_cast %scan3A_92 : i32 to index
        %swap3A_207 = arith.constant 32 : index
        %swap3A_208 = tpu.vector_load %arg8[%swap3A_206, %swap3A_207] {strides = array<i32>} : memref<40x128xf32, #tpu.memory_space<vmem>>, vector<1x16xf32>,
        %swap3A_209 = vector.shape_cast %swap3A_208 : vector<1x16xf32> to vector<16xf32>
        %swap3A_210 = vector.shape_cast %bitcast_convert_type3A_205 : vector<16xf32> to vector<1x16xf32>
        tpu.vector_store %arg8[%swap3A_206, %swap3A_207], %swap3A_210 {strides = array<i32>} : memref<40x128xf32, #tpu.memory_space<vmem>>, vector<1x16xf32>,
        %get3A_211 = arith.index_cast %scan3A_92 : i32 to index
        %get3A_212 = arith.constant 48 : index
        %get3A_213 = tpu.vector_load %arg6[%get3A_211, %get3A_212] {strides = array<i32>} : memref<120x128xf32, #tpu.memory_space<vmem>>, vector<1x16xf32>,
        %get3A_214 = vector.shape_cast %get3A_213 : vector<1x16xf32> to vector<16xf32>
        %add3A_215 = arith.constant 40 : i32
        %add3A_216 = arith.addi %scan3A_92, %add3A_215 : i32
        %get3A_217 = arith.index_cast %add3A_216 : i32 to index
        %get3A_218 = arith.constant 48 : index
        %get3A_219 = tpu.vector_load %arg6[%get3A_217, %get3A_218] {strides = array<i32>} : memref<120x128xf32, #tpu.memory_space<vmem>>, vector<1x16xf32>,
        %get3A_220 = vector.shape_cast %get3A_219 : vector<1x16xf32> to vector<16xf32>
        %add3A_221 = arith.addf %get3A_214, %get3A_220 : vector<16xf32>
        %add3A_222 = arith.constant 80 : i32
        %add3A_223 = arith.addi %scan3A_92, %add3A_222 : i32
        %get3A_224 = arith.index_cast %add3A_223 : i32 to index
        %get3A_225 = arith.constant 48 : index
        %get3A_226 = tpu.vector_load %arg6[%get3A_224, %get3A_225] {strides = array<i32>} : memref<120x128xf32, #tpu.memory_space<vmem>>, vector<1x16xf32>,
        %get3A_227 = vector.shape_cast %get3A_226 : vector<1x16xf32> to vector<16xf32>
        %add3A_228 = arith.addf %add3A_221, %get3A_227 : vector<16xf32>
        %bitcast_convert_type3A_229 = tpu.bitcast %add3A_228 : vector<16xf32> -> vector<16xi32>
        %or3A_230 = arith.constant -2147483648 : i32
        %or3A_231 = vector.broadcast %or3A_230 : i32 to vector<16xi32>
        %or3A_232 = arith.ori %bitcast_convert_type3A_229, %or3A_231 : vector<16xi32>
        %bitcast_convert_type3A_233 = tpu.bitcast %or3A_232 : vector<16xi32> -> vector<16xf32>
        %exp3A_234 = math.exp %bitcast_convert_type3A_233 : vector<16xf32>
        %sub3A_235 = arith.constant 1.000000e+00 : f32
        %sub3A_236 = vector.broadcast %sub3A_235 : f32 to vector<16xf32>
        %sub3A_237 = arith.subf %sub3A_236, %exp3A_234 : vector<16xf32>
        %add3A_238 = arith.constant 1.000000e+00 : f32
        %add3A_239 = vector.broadcast %add3A_238 : f32 to vector<16xf32>
        %add3A_240 = arith.addf %add3A_239, %exp3A_234 : vector<16xf32>
        %div3A_241 = arith.divf %sub3A_237, %add3A_240 : vector<16xf32>
        %bitcast_convert_type3A_242 = tpu.bitcast %div3A_241 : vector<16xf32> -> vector<16xi32>
        %and3A_243 = arith.constant -2147483648 : i32
        %and3A_244 = vector.broadcast %and3A_243 : i32 to vector<16xi32>
        %and3A_245 = arith.andi %bitcast_convert_type3A_229, %and3A_244 : vector<16xi32>
        %or3A_246 = arith.ori %bitcast_convert_type3A_242, %and3A_245 : vector<16xi32>
        %bitcast_convert_type3A_247 = tpu.bitcast %or3A_246 : vector<16xi32> -> vector<16xf32>
        %swap3A_248 = arith.index_cast %scan3A_92 : i32 to index
        %swap3A_249 = arith.constant 48 : index
        %swap3A_250 = tpu.vector_load %arg8[%swap3A_248, %swap3A_249] {strides = array<i32>} : memref<40x128xf32, #tpu.memory_space<vmem>>, vector<1x16xf32>,
        %swap3A_251 = vector.shape_cast %swap3A_250 : vector<1x16xf32> to vector<16xf32>
        %swap3A_252 = vector.shape_cast %bitcast_convert_type3A_247 : vector<16xf32> to vector<1x16xf32>
        tpu.vector_store %arg8[%swap3A_248, %swap3A_249], %swap3A_252 {strides = array<i32>} : memref<40x128xf32, #tpu.memory_space<vmem>>, vector<1x16xf32>,
        %get3A_253 = arith.index_cast %scan3A_92 : i32 to index
        %get3A_254 = arith.constant 64 : index
        %get3A_255 = tpu.vector_load %arg6[%get3A_253, %get3A_254] {strides = array<i32>} : memref<120x128xf32, #tpu.memory_space<vmem>>, vector<1x16xf32>,
        %get3A_256 = vector.shape_cast %get3A_255 : vector<1x16xf32> to vector<16xf32>
        %add3A_257 = arith.constant 40 : i32
        %add3A_258 = arith.addi %scan3A_92, %add3A_257 : i32
        %get3A_259 = arith.index_cast %add3A_258 : i32 to index
        %get3A_260 = arith.constant 64 : index
        %get3A_261 = tpu.vector_load %arg6[%get3A_259, %get3A_260] {strides = array<i32>} : memref<120x128xf32, #tpu.memory_space<vmem>>, vector<1x16xf32>,
        %get3A_262 = vector.shape_cast %get3A_261 : vector<1x16xf32> to vector<16xf32>
        %add3A_263 = arith.addf %get3A_256, %get3A_262 : vector<16xf32>
        %add3A_264 = arith.constant 80 : i32
        %add3A_265 = arith.addi %scan3A_92, %add3A_264 : i32
        %get3A_266 = arith.index_cast %add3A_265 : i32 to index
        %get3A_267 = arith.constant 64 : index
        %get3A_268 = tpu.vector_load %arg6[%get3A_266, %get3A_267] {strides = array<i32>} : memref<120x128xf32, #tpu.memory_space<vmem>>, vector<1x16xf32>,
        %get3A_269 = vector.shape_cast %get3A_268 : vector<1x16xf32> to vector<16xf32>
        %add3A_270 = arith.addf %add3A_263, %get3A_269 : vector<16xf32>
        %bitcast_convert_type3A_271 = tpu.bitcast %add3A_270 : vector<16xf32> -> vector<16xi32>
        %or3A_272 = arith.constant -2147483648 : i32
        %or3A_273 = vector.broadcast %or3A_272 : i32 to vector<16xi32>
        %or3A_274 = arith.ori %bitcast_convert_type3A_271, %or3A_273 : vector<16xi32>
        %bitcast_convert_type3A_275 = tpu.bitcast %or3A_274 : vector<16xi32> -> vector<16xf32>
        %exp3A_276 = math.exp %bitcast_convert_type3A_275 : vector<16xf32>
        %sub3A_277 = arith.constant 1.000000e+00 : f32
        %sub3A_278 = vector.broadcast %sub3A_277 : f32 to vector<16xf32>
        %sub3A_279 = arith.subf %sub3A_278, %exp3A_276 : vector<16xf32>
        %add3A_280 = arith.constant 1.000000e+00 : f32
        %add3A_281 = vector.broadcast %add3A_280 : f32 to vector<16xf32>
        %add3A_282 = arith.addf %add3A_281, %exp3A_276 : vector<16xf32>
        %div3A_283 = arith.divf %sub3A_279, %add3A_282 : vector<16xf32>
        %bitcast_convert_type3A_284 = tpu.bitcast %div3A_283 : vector<16xf32> -> vector<16xi32>
        %and3A_285 = arith.constant -2147483648 : i32
        %and3A_286 = vector.broadcast %and3A_285 : i32 to vector<16xi32>
        %and3A_287 = arith.andi %bitcast_convert_type3A_271, %and3A_286 : vector<16xi32>
        %or3A_288 = arith.ori %bitcast_convert_type3A_284, %and3A_287 : vector<16xi32>
        %bitcast_convert_type3A_289 = tpu.bitcast %or3A_288 : vector<16xi32> -> vector<16xf32>
        %swap3A_290 = arith.index_cast %scan3A_92 : i32 to index
        %swap3A_291 = arith.constant 64 : index
        %swap3A_292 = tpu.vector_load %arg8[%swap3A_290, %swap3A_291] {strides = array<i32>} : memref<40x128xf32, #tpu.memory_space<vmem>>, vector<1x16xf32>,
        %swap3A_293 = vector.shape_cast %swap3A_292 : vector<1x16xf32> to vector<16xf32>
        %swap3A_294 = vector.shape_cast %bitcast_convert_type3A_289 : vector<16xf32> to vector<1x16xf32>
        tpu.vector_store %arg8[%swap3A_290, %swap3A_291], %swap3A_294 {strides = array<i32>} : memref<40x128xf32, #tpu.memory_space<vmem>>, vector<1x16xf32>,
        %get3A_295 = arith.index_cast %scan3A_92 : i32 to index
        %get3A_296 = arith.constant 80 : index
        %get3A_297 = tpu.vector_load %arg6[%get3A_295, %get3A_296] {strides = array<i32>} : memref<120x128xf32, #tpu.memory_space<vmem>>, vector<1x16xf32>,
        %get3A_298 = vector.shape_cast %get3A_297 : vector<1x16xf32> to vector<16xf32>
        %add3A_299 = arith.constant 40 : i32
        %add3A_300 = arith.addi %scan3A_92, %add3A_299 : i32
        %get3A_301 = arith.index_cast %add3A_300 : i32 to index
        %get3A_302 = arith.constant 80 : index
        %get3A_303 = tpu.vector_load %arg6[%get3A_301, %get3A_302] {strides = array<i32>} : memref<120x128xf32, #tpu.memory_space<vmem>>, vector<1x16xf32>,
        %get3A_304 = vector.shape_cast %get3A_303 : vector<1x16xf32> to vector<16xf32>
        %add3A_305 = arith.addf %get3A_298, %get3A_304 : vector<16xf32>
        %add3A_306 = arith.constant 80 : i32
        %add3A_307 = arith.addi %scan3A_92, %add3A_306 : i32
        %get3A_308 = arith.index_cast %add3A_307 : i32 to index
        %get3A_309 = arith.constant 80 : index
        %get3A_310 = tpu.vector_load %arg6[%get3A_308, %get3A_309] {strides = array<i32>} : memref<120x128xf32, #tpu.memory_space<vmem>>, vector<1x16xf32>,
        %get3A_311 = vector.shape_cast %get3A_310 : vector<1x16xf32> to vector<16xf32>
        %add3A_312 = arith.addf %add3A_305, %get3A_311 : vector<16xf32>
        %bitcast_convert_type3A_313 = tpu.bitcast %add3A_312 : vector<16xf32> -> vector<16xi32>
        %or3A_314 = arith.constant -2147483648 : i32
        %or3A_315 = vector.broadcast %or3A_314 : i32 to vector<16xi32>
        %or3A_316 = arith.ori %bitcast_convert_type3A_313, %or3A_315 : vector<16xi32>
        %bitcast_convert_type3A_317 = tpu.bitcast %or3A_316 : vector<16xi32> -> vector<16xf32>
        %exp3A_318 = math.exp %bitcast_convert_type3A_317 : vector<16xf32>
        %sub3A_319 = arith.constant 1.000000e+00 : f32
        %sub3A_320 = vector.broadcast %sub3A_319 : f32 to vector<16xf32>
        %sub3A_321 = arith.subf %sub3A_320, %exp3A_318 : vector<16xf32>
        %add3A_322 = arith.constant 1.000000e+00 : f32
        %add3A_323 = vector.broadcast %add3A_322 : f32 to vector<16xf32>
        %add3A_324 = arith.addf %add3A_323, %exp3A_318 : vector<16xf32>
        %div3A_325 = arith.divf %sub3A_321, %add3A_324 : vector<16xf32>
        %bitcast_convert_type3A_326 = tpu.bitcast %div3A_325 : vector<16xf32> -> vector<16xi32>
        %and3A_327 = arith.constant -2147483648 : i32
        %and3A_328 = vector.broadcast %and3A_327 : i32 to vector<16xi32>
        %and3A_329 = arith.andi %bitcast_convert_type3A_313, %and3A_328 : vector<16xi32>
        %or3A_330 = arith.ori %bitcast_convert_type3A_326, %and3A_329 : vector<16xi32>
        %bitcast_convert_type3A_331 = tpu.bitcast %or3A_330 : vector<16xi32> -> vector<16xf32>
        %swap3A_332 = arith.index_cast %scan3A_92 : i32 to index
        %swap3A_333 = arith.constant 80 : index
        %swap3A_334 = tpu.vector_load %arg8[%swap3A_332, %swap3A_333] {strides = array<i32>} : memref<40x128xf32, #tpu.memory_space<vmem>>, vector<1x16xf32>,
        %swap3A_335 = vector.shape_cast %swap3A_334 : vector<1x16xf32> to vector<16xf32>
        %swap3A_336 = vector.shape_cast %bitcast_convert_type3A_331 : vector<16xf32> to vector<1x16xf32>
        tpu.vector_store %arg8[%swap3A_332, %swap3A_333], %swap3A_336 {strides = array<i32>} : memref<40x128xf32, #tpu.memory_space<vmem>>, vector<1x16xf32>,
        %get3A_337 = arith.index_cast %scan3A_92 : i32 to index
        %get3A_338 = arith.constant 96 : index
        %get3A_339 = tpu.vector_load %arg6[%get3A_337, %get3A_338] {strides = array<i32>} : memref<120x128xf32, #tpu.memory_space<vmem>>, vector<1x16xf32>,
        %get3A_340 = vector.shape_cast %get3A_339 : vector<1x16xf32> to vector<16xf32>
        %add3A_341 = arith.constant 40 : i32
        %add3A_342 = arith.addi %scan3A_92, %add3A_341 : i32
        %get3A_343 = arith.index_cast %add3A_342 : i32 to index
        %get3A_344 = arith.constant 96 : index
        %get3A_345 = tpu.vector_load %arg6[%get3A_343, %get3A_344] {strides = array<i32>} : memref<120x128xf32, #tpu.memory_space<vmem>>, vector<1x16xf32>,
        %get3A_346 = vector.shape_cast %get3A_345 : vector<1x16xf32> to vector<16xf32>
        %add3A_347 = arith.addf %get3A_340, %get3A_346 : vector<16xf32>
        %add3A_348 = arith.constant 80 : i32
        %add3A_349 = arith.addi %scan3A_92, %add3A_348 : i32
        %get3A_350 = arith.index_cast %add3A_349 : i32 to index
        %get3A_351 = arith.constant 96 : index
        %get3A_352 = tpu.vector_load %arg6[%get3A_350, %get3A_351] {strides = array<i32>} : memref<120x128xf32, #tpu.memory_space<vmem>>, vector<1x16xf32>,
        %get3A_353 = vector.shape_cast %get3A_352 : vector<1x16xf32> to vector<16xf32>
        %add3A_354 = arith.addf %add3A_347, %get3A_353 : vector<16xf32>
        %bitcast_convert_type3A_355 = tpu.bitcast %add3A_354 : vector<16xf32> -> vector<16xi32>
        %or3A_356 = arith.constant -2147483648 : i32
        %or3A_357 = vector.broadcast %or3A_356 : i32 to vector<16xi32>
        %or3A_358 = arith.ori %bitcast_convert_type3A_355, %or3A_357 : vector<16xi32>
        %bitcast_convert_type3A_359 = tpu.bitcast %or3A_358 : vector<16xi32> -> vector<16xf32>
        %exp3A_360 = math.exp %bitcast_convert_type3A_359 : vector<16xf32>
        %sub3A_361 = arith.constant 1.000000e+00 : f32
        %sub3A_362 = vector.broadcast %sub3A_361 : f32 to vector<16xf32>
        %sub3A_363 = arith.subf %sub3A_362, %exp3A_360 : vector<16xf32>
        %add3A_364 = arith.constant 1.000000e+00 : f32
        %add3A_365 = vector.broadcast %add3A_364 : f32 to vector<16xf32>
        %add3A_366 = arith.addf %add3A_365, %exp3A_360 : vector<16xf32>
        %div3A_367 = arith.divf %sub3A_363, %add3A_366 : vector<16xf32>
        %bitcast_convert_type3A_368 = tpu.bitcast %div3A_367 : vector<16xf32> -> vector<16xi32>
        %and3A_369 = arith.constant -2147483648 : i32
        %and3A_370 = vector.broadcast %and3A_369 : i32 to vector<16xi32>
        %and3A_371 = arith.andi %bitcast_convert_type3A_355, %and3A_370 : vector<16xi32>
        %or3A_372 = arith.ori %bitcast_convert_type3A_368, %and3A_371 : vector<16xi32>
        %bitcast_convert_type3A_373 = tpu.bitcast %or3A_372 : vector<16xi32> -> vector<16xf32>
        %swap3A_374 = arith.index_cast %scan3A_92 : i32 to index
        %swap3A_375 = arith.constant 96 : index
        %swap3A_376 = tpu.vector_load %arg8[%swap3A_374, %swap3A_375] {strides = array<i32>} : memref<40x128xf32, #tpu.memory_space<vmem>>, vector<1x16xf32>,
        %swap3A_377 = vector.shape_cast %swap3A_376 : vector<1x16xf32> to vector<16xf32>
        %swap3A_378 = vector.shape_cast %bitcast_convert_type3A_373 : vector<16xf32> to vector<1x16xf32>
        tpu.vector_store %arg8[%swap3A_374, %swap3A_375], %swap3A_378 {strides = array<i32>} : memref<40x128xf32, #tpu.memory_space<vmem>>, vector<1x16xf32>,
        %get3A_379 = arith.index_cast %scan3A_92 : i32 to index
        %get3A_380 = arith.constant 112 : index
        %get3A_381 = tpu.vector_load %arg6[%get3A_379, %get3A_380] {strides = array<i32>} : memref<120x128xf32, #tpu.memory_space<vmem>>, vector<1x16xf32>,
        %get3A_382 = vector.shape_cast %get3A_381 : vector<1x16xf32> to vector<16xf32>
        %add3A_383 = arith.constant 40 : i32
        %add3A_384 = arith.addi %scan3A_92, %add3A_383 : i32
        %get3A_385 = arith.index_cast %add3A_384 : i32 to index
        %get3A_386 = arith.constant 112 : index
        %get3A_387 = tpu.vector_load %arg6[%get3A_385, %get3A_386] {strides = array<i32>} : memref<120x128xf32, #tpu.memory_space<vmem>>, vector<1x16xf32>,
        %get3A_388 = vector.shape_cast %get3A_387 : vector<1x16xf32> to vector<16xf32>
        %add3A_389 = arith.addf %get3A_382, %get3A_388 : vector<16xf32>
        %add3A_390 = arith.constant 80 : i32
        %add3A_391 = arith.addi %scan3A_92, %add3A_390 : i32
        %get3A_392 = arith.index_cast %add3A_391 : i32 to index
        %get3A_393 = arith.constant 112 : index
        %get3A_394 = tpu.vector_load %arg6[%get3A_392, %get3A_393] {strides = array<i32>} : memref<120x128xf32, #tpu.memory_space<vmem>>, vector<1x16xf32>,
        %get3A_395 = vector.shape_cast %get3A_394 : vector<1x16xf32> to vector<16xf32>
        %add3A_396 = arith.addf %add3A_389, %get3A_395 : vector<16xf32>
        %bitcast_convert_type3A_397 = tpu.bitcast %add3A_396 : vector<16xf32> -> vector<16xi32>
        %or3A_398 = arith.constant -2147483648 : i32
        %or3A_399 = vector.broadcast %or3A_398 : i32 to vector<16xi32>
        %or3A_400 = arith.ori %bitcast_convert_type3A_397, %or3A_399 : vector<16xi32>
        %bitcast_convert_type3A_401 = tpu.bitcast %or3A_400 : vector<16xi32> -> vector<16xf32>
        %exp3A_402 = math.exp %bitcast_convert_type3A_401 : vector<16xf32>
        %sub3A_403 = arith.constant 1.000000e+00 : f32
        %sub3A_404 = vector.broadcast %sub3A_403 : f32 to vector<16xf32>
        %sub3A_405 = arith.subf %sub3A_404, %exp3A_402 : vector<16xf32>
        %add3A_406 = arith.constant 1.000000e+00 : f32
        %add3A_407 = vector.broadcast %add3A_406 : f32 to vector<16xf32>
        %add3A_408 = arith.addf %add3A_407, %exp3A_402 : vector<16xf32>
        %div3A_409 = arith.divf %sub3A_405, %add3A_408 : vector<16xf32>
        %bitcast_convert_type3A_410 = tpu.bitcast %div3A_409 : vector<16xf32> -> vector<16xi32>
        %and3A_411 = arith.constant -2147483648 : i32
        %and3A_412 = vector.broadcast %and3A_411 : i32 to vector<16xi32>
        %and3A_413 = arith.andi %bitcast_convert_type3A_397, %and3A_412 : vector<16xi32>
        %or3A_414 = arith.ori %bitcast_convert_type3A_410, %and3A_413 : vector<16xi32>
        %bitcast_convert_type3A_415 = tpu.bitcast %or3A_414 : vector<16xi32> -> vector<16xf32>
        %swap3A_416 = arith.index_cast %scan3A_92 : i32 to index
        %swap3A_417 = arith.constant 112 : index
        %swap3A_418 = tpu.vector_load %arg8[%swap3A_416, %swap3A_417] {strides = array<i32>} : memref<40x128xf32, #tpu.memory_space<vmem>>, vector<1x16xf32>,
        %swap3A_419 = vector.shape_cast %swap3A_418 : vector<1x16xf32> to vector<16xf32>
        %swap3A_420 = vector.shape_cast %bitcast_convert_type3A_415 : vector<16xf32> to vector<1x16xf32>
        tpu.vector_store %arg8[%swap3A_416, %swap3A_417], %swap3A_420 {strides = array<i32>} : memref<40x128xf32, #tpu.memory_space<vmem>>, vector<1x16xf32>,
      }
      %scan3A_49 = arith.constant 40 : i32
      %mul3A_50 = arith.constant 40 : i32
      %mul3A_51 = arith.muli %add3A_29, %mul3A_50 : i32
      %add3A_52 = arith.addi %mul3A_2, %mul3A_51 : i32
      %dma_start3A_53 = arith.constant 0 : i32
      %dma_start3A_54 = tpu.memref_slice %arg4[%add3A_52, %dma_start3A_53] : memref<320000x128xf32, #tpu.memory_space<hbm>> -> memref<40x128xf32, #tpu.memory_space<hbm>>
      %dma_start3A_55 = arith.constant 0 : i32
      %dma_start3A_56 = tpu.memref_slice %arg4[%add3A_52, %dma_start3A_55] : memref<320000x128xf32, #tpu.memory_space<hbm>> -> memref<40x128xf32, #tpu.memory_space<hbm>>
      tpu.enqueue_dma source(%arg8 : memref<40x128xf32, #tpu.memory_space<vmem>>) target(%dma_start3A_56 : memref<40x128xf32, #tpu.memory_space<hbm>>) target_semaphore(%arg12 : memref<!tpu.dma_semaphore, #tpu.memory_space<semaphore_mem>>)
      %mul3A_57 = arith.constant 2 : i32
      %mul3A_58 = arith.muli %scan3A_25, %mul3A_57 : i32
      %add3A_59 = arith.constant 1 : i32
      %add3A_60 = arith.addi %mul3A_58, %add3A_59 : i32
      %add3A_61 = arith.constant 1 : i32
      %add3A_62 = arith.addi %add3A_60, %add3A_61 : i32
      %lt3A_63 = arith.constant 250 : i32
      %lt3A_64 = arith.cmpi slt, %add3A_62, %lt3A_63 : i32
      %convert_element_type3A_65 = arith.extui %lt3A_64 : i1 to i32
      %cond3A_66 = arith.constant 0 : i32
      %cond3A_67 = arith.cmpi ne, %convert_element_type3A_65, %cond3A_66 : i32
      scf.if %cond3A_67 {
        %add3A_92 = arith.constant 1 : i32
        %add3A_93 = arith.addi %add3A_60, %add3A_92 : i32
        %dma_start3A_94 = arith.constant 0 : i32
        %dma_start3A_95 = tpu.memref_slice %arg5[%add3A_93, %dma_start3A_94] : memref<250x120xi32, #tpu.memory_space<vmem>> -> memref<1x120xi32, #tpu.memory_space<vmem>>
        %dma_start3A_96 = tpu.memref_squeeze %dma_start3A_95 : memref<1x120xi32, #tpu.memory_space<vmem>> -> memref<120xi32, #tpu.memory_space<vmem>>
        %dma_start3A_97 = arith.constant 0 : i32
        %dma_start3A_98 = arith.constant 0 : i32
        %dma_start3A_99 = tpu.memref_slice %arg2[%dma_start3A_97, %dma_start3A_98] : memref<30000x128xf32, #tpu.memory_space<hbm>> -> memref<30000x128xf32, #tpu.memory_space<hbm>>
        tpu.enqueue_indirect_dma source(%dma_start3A_99 : memref<30000x128xf32, #tpu.memory_space<hbm>>) target(%arg6 : memref<120x128xf32, #tpu.memory_space<vmem>>) offsets(%dma_start3A_96 : memref<120xi32, #tpu.memory_space<vmem>>) semaphore(%arg10 : memref<!tpu.dma_semaphore, #tpu.memory_space<semaphore_mem>>)
      } else {
      }
      %dma_wait3A_68 = arith.constant 0 : i32
      %dma_wait3A_69 = tpu.memref_slice %arg5[%add3A_60, %dma_wait3A_68] : memref<250x120xi32, #tpu.memory_space<vmem>> -> memref<1x120xi32, #tpu.memory_space<vmem>>
      %dma_wait3A_70 = tpu.memref_squeeze %dma_wait3A_69 : memref<1x120xi32, #tpu.memory_space<vmem>> -> memref<120xi32, #tpu.memory_space<vmem>>
      %dma_wait3A_71 = arith.constant 0 : i32
      %dma_wait3A_72 = arith.constant 0 : i32
      %dma_wait3A_73 = tpu.memref_slice %arg2[%dma_wait3A_71, %dma_wait3A_72] : memref<30000x128xf32, #tpu.memory_space<hbm>> -> memref<30000x128xf32, #tpu.memory_space<hbm>>
      tpu.wait_indirect_dma semaphore(%arg11 : memref<!tpu.dma_semaphore, #tpu.memory_space<semaphore_mem>>) src(%dma_wait3A_73 : memref<30000x128xf32, #tpu.memory_space<hbm>>) dst(%arg7 : memref<120x128xf32, #tpu.memory_space<vmem>>)
      %ge3A_74 = arith.constant 2 : i32
      %ge3A_75 = arith.cmpi sge, %add3A_60, %ge3A_74 : i32
      %convert_element_type3A_76 = arith.extui %ge3A_75 : i1 to i32
      %cond3A_77 = arith.constant 0 : i32
      %cond3A_78 = arith.cmpi ne, %convert_element_type3A_76, %cond3A_77 : i32
      scf.if %cond3A_78 {
        %sub3A = arith.constant 2 : i32
        %sub3A_92 = arith.subi %add3A_60, %sub3A : i32
        %mul3A_93 = arith.constant 40 : i32
        %mul3A_94 = arith.muli %sub3A_92, %mul3A_93 : i32
        %add3A_95 = arith.addi %mul3A_2, %mul3A_94 : i32
        %dma_wait3A_96 = arith.constant 0 : i32
        %dma_wait3A_97 = tpu.memref_slice %arg4[%add3A_95, %dma_wait3A_96] : memref<320000x128xf32, #tpu.memory_space<hbm>> -> memref<40x128xf32, #tpu.memory_space<hbm>>
        %dma_wait3A_98 = arith.constant 0 : i32
        %dma_wait3A_99 = tpu.memref_slice %arg4[%add3A_95, %dma_wait3A_98] : memref<320000x128xf32, #tpu.memory_space<hbm>> -> memref<40x128xf32, #tpu.memory_space<hbm>>
        tpu.wait_dma2 semaphore(%arg13 : memref<!tpu.dma_semaphore, #tpu.memory_space<semaphore_mem>>) src(%arg9 : memref<40x128xf32, #tpu.memory_space<vmem>>) dst(%dma_wait3A_99 : memref<40x128xf32, #tpu.memory_space<hbm>>)
      } else {
      }
      %scan3A_79 = arith.constant 0 : i32
      %scan3A_80 = arith.constant 0 : i32
      %scan3A_81 = arith.constant 40 : i32
      %scan3A_82 = arith.addi %scan3A_80, %scan3A_81 : i32
      %scan3A_83 = arith.constant 1 : i32
      scf.for %scan3A_92 = %scan3A_80 to %scan3A_82 step %scan3A_83  : i32 {
        %get3A = arith.index_cast %scan3A_92 : i32 to index
        %get3A_93 = arith.constant 0 : index
        %get3A_94 = tpu.vector_load %arg7[%get3A, %get3A_93] {strides = array<i32>} : memref<120x128xf32, #tpu.memory_space<vmem>>, vector<1x16xf32>,
        %get3A_95 = vector.shape_cast %get3A_94 : vector<1x16xf32> to vector<16xf32>
        %add3A_96 = arith.constant 40 : i32
        %add3A_97 = arith.addi %scan3A_92, %add3A_96 : i32
        %get3A_98 = arith.index_cast %add3A_97 : i32 to index
        %get3A_99 = arith.constant 0 : index
        %get3A_100 = tpu.vector_load %arg7[%get3A_98, %get3A_99] {strides = array<i32>} : memref<120x128xf32, #tpu.memory_space<vmem>>, vector<1x16xf32>,
        %get3A_101 = vector.shape_cast %get3A_100 : vector<1x16xf32> to vector<16xf32>
        %add3A_102 = arith.addf %get3A_95, %get3A_101 : vector<16xf32>
        %add3A_103 = arith.constant 80 : i32
        %add3A_104 = arith.addi %scan3A_92, %add3A_103 : i32
        %get3A_105 = arith.index_cast %add3A_104 : i32 to index
        %get3A_106 = arith.constant 0 : index
        %get3A_107 = tpu.vector_load %arg7[%get3A_105, %get3A_106] {strides = array<i32>} : memref<120x128xf32, #tpu.memory_space<vmem>>, vector<1x16xf32>,
        %get3A_108 = vector.shape_cast %get3A_107 : vector<1x16xf32> to vector<16xf32>
        %add3A_109 = arith.addf %add3A_102, %get3A_108 : vector<16xf32>
        %bitcast_convert_type3A = tpu.bitcast %add3A_109 : vector<16xf32> -> vector<16xi32>
        %or3A = arith.constant -2147483648 : i32
        %or3A_110 = vector.broadcast %or3A : i32 to vector<16xi32>
        %or3A_111 = arith.ori %bitcast_convert_type3A, %or3A_110 : vector<16xi32>
        %bitcast_convert_type3A_112 = tpu.bitcast %or3A_111 : vector<16xi32> -> vector<16xf32>
        %exp3A = math.exp %bitcast_convert_type3A_112 : vector<16xf32>
        %sub3A = arith.constant 1.000000e+00 : f32
        %sub3A_113 = vector.broadcast %sub3A : f32 to vector<16xf32>
        %sub3A_114 = arith.subf %sub3A_113, %exp3A : vector<16xf32>
        %add3A_115 = arith.constant 1.000000e+00 : f32
        %add3A_116 = vector.broadcast %add3A_115 : f32 to vector<16xf32>
        %add3A_117 = arith.addf %add3A_116, %exp3A : vector<16xf32>
        %div3A = arith.divf %sub3A_114, %add3A_117 : vector<16xf32>
        %bitcast_convert_type3A_118 = tpu.bitcast %div3A : vector<16xf32> -> vector<16xi32>
        %and3A = arith.constant -2147483648 : i32
        %and3A_119 = vector.broadcast %and3A : i32 to vector<16xi32>
        %and3A_120 = arith.andi %bitcast_convert_type3A, %and3A_119 : vector<16xi32>
        %or3A_121 = arith.ori %bitcast_convert_type3A_118, %and3A_120 : vector<16xi32>
        %bitcast_convert_type3A_122 = tpu.bitcast %or3A_121 : vector<16xi32> -> vector<16xf32>
        %swap3A = arith.index_cast %scan3A_92 : i32 to index
        %swap3A_123 = arith.constant 0 : index
        %swap3A_124 = tpu.vector_load %arg9[%swap3A, %swap3A_123] {strides = array<i32>} : memref<40x128xf32, #tpu.memory_space<vmem>>, vector<1x16xf32>,
        %swap3A_125 = vector.shape_cast %swap3A_124 : vector<1x16xf32> to vector<16xf32>
        %swap3A_126 = vector.shape_cast %bitcast_convert_type3A_122 : vector<16xf32> to vector<1x16xf32>
        tpu.vector_store %arg9[%swap3A, %swap3A_123], %swap3A_126 {strides = array<i32>} : memref<40x128xf32, #tpu.memory_space<vmem>>, vector<1x16xf32>,
        %get3A_127 = arith.index_cast %scan3A_92 : i32 to index
        %get3A_128 = arith.constant 16 : index
        %get3A_129 = tpu.vector_load %arg7[%get3A_127, %get3A_128] {strides = array<i32>} : memref<120x128xf32, #tpu.memory_space<vmem>>, vector<1x16xf32>,
        %get3A_130 = vector.shape_cast %get3A_129 : vector<1x16xf32> to vector<16xf32>
        %add3A_131 = arith.constant 40 : i32
        %add3A_132 = arith.addi %scan3A_92, %add3A_131 : i32
        %get3A_133 = arith.index_cast %add3A_132 : i32 to index
        %get3A_134 = arith.constant 16 : index
        %get3A_135 = tpu.vector_load %arg7[%get3A_133, %get3A_134] {strides = array<i32>} : memref<120x128xf32, #tpu.memory_space<vmem>>, vector<1x16xf32>,
        %get3A_136 = vector.shape_cast %get3A_135 : vector<1x16xf32> to vector<16xf32>
        %add3A_137 = arith.addf %get3A_130, %get3A_136 : vector<16xf32>
        %add3A_138 = arith.constant 80 : i32
        %add3A_139 = arith.addi %scan3A_92, %add3A_138 : i32
        %get3A_140 = arith.index_cast %add3A_139 : i32 to index
        %get3A_141 = arith.constant 16 : index
        %get3A_142 = tpu.vector_load %arg7[%get3A_140, %get3A_141] {strides = array<i32>} : memref<120x128xf32, #tpu.memory_space<vmem>>, vector<1x16xf32>,
        %get3A_143 = vector.shape_cast %get3A_142 : vector<1x16xf32> to vector<16xf32>
        %add3A_144 = arith.addf %add3A_137, %get3A_143 : vector<16xf32>
        %bitcast_convert_type3A_145 = tpu.bitcast %add3A_144 : vector<16xf32> -> vector<16xi32>
        %or3A_146 = arith.constant -2147483648 : i32
        %or3A_147 = vector.broadcast %or3A_146 : i32 to vector<16xi32>
        %or3A_148 = arith.ori %bitcast_convert_type3A_145, %or3A_147 : vector<16xi32>
        %bitcast_convert_type3A_149 = tpu.bitcast %or3A_148 : vector<16xi32> -> vector<16xf32>
        %exp3A_150 = math.exp %bitcast_convert_type3A_149 : vector<16xf32>
        %sub3A_151 = arith.constant 1.000000e+00 : f32
        %sub3A_152 = vector.broadcast %sub3A_151 : f32 to vector<16xf32>
        %sub3A_153 = arith.subf %sub3A_152, %exp3A_150 : vector<16xf32>
        %add3A_154 = arith.constant 1.000000e+00 : f32
        %add3A_155 = vector.broadcast %add3A_154 : f32 to vector<16xf32>
        %add3A_156 = arith.addf %add3A_155, %exp3A_150 : vector<16xf32>
        %div3A_157 = arith.divf %sub3A_153, %add3A_156 : vector<16xf32>
        %bitcast_convert_type3A_158 = tpu.bitcast %div3A_157 : vector<16xf32> -> vector<16xi32>
        %and3A_159 = arith.constant -2147483648 : i32
        %and3A_160 = vector.broadcast %and3A_159 : i32 to vector<16xi32>
        %and3A_161 = arith.andi %bitcast_convert_type3A_145, %and3A_160 : vector<16xi32>
        %or3A_162 = arith.ori %bitcast_convert_type3A_158, %and3A_161 : vector<16xi32>
        %bitcast_convert_type3A_163 = tpu.bitcast %or3A_162 : vector<16xi32> -> vector<16xf32>
        %swap3A_164 = arith.index_cast %scan3A_92 : i32 to index
        %swap3A_165 = arith.constant 16 : index
        %swap3A_166 = tpu.vector_load %arg9[%swap3A_164, %swap3A_165] {strides = array<i32>} : memref<40x128xf32, #tpu.memory_space<vmem>>, vector<1x16xf32>,
        %swap3A_167 = vector.shape_cast %swap3A_166 : vector<1x16xf32> to vector<16xf32>
        %swap3A_168 = vector.shape_cast %bitcast_convert_type3A_163 : vector<16xf32> to vector<1x16xf32>
        tpu.vector_store %arg9[%swap3A_164, %swap3A_165], %swap3A_168 {strides = array<i32>} : memref<40x128xf32, #tpu.memory_space<vmem>>, vector<1x16xf32>,
        %get3A_169 = arith.index_cast %scan3A_92 : i32 to index
        %get3A_170 = arith.constant 32 : index
        %get3A_171 = tpu.vector_load %arg7[%get3A_169, %get3A_170] {strides = array<i32>} : memref<120x128xf32, #tpu.memory_space<vmem>>, vector<1x16xf32>,
        %get3A_172 = vector.shape_cast %get3A_171 : vector<1x16xf32> to vector<16xf32>
        %add3A_173 = arith.constant 40 : i32
        %add3A_174 = arith.addi %scan3A_92, %add3A_173 : i32
        %get3A_175 = arith.index_cast %add3A_174 : i32 to index
        %get3A_176 = arith.constant 32 : index
        %get3A_177 = tpu.vector_load %arg7[%get3A_175, %get3A_176] {strides = array<i32>} : memref<120x128xf32, #tpu.memory_space<vmem>>, vector<1x16xf32>,
        %get3A_178 = vector.shape_cast %get3A_177 : vector<1x16xf32> to vector<16xf32>
        %add3A_179 = arith.addf %get3A_172, %get3A_178 : vector<16xf32>
        %add3A_180 = arith.constant 80 : i32
        %add3A_181 = arith.addi %scan3A_92, %add3A_180 : i32
        %get3A_182 = arith.index_cast %add3A_181 : i32 to index
        %get3A_183 = arith.constant 32 : index
        %get3A_184 = tpu.vector_load %arg7[%get3A_182, %get3A_183] {strides = array<i32>} : memref<120x128xf32, #tpu.memory_space<vmem>>, vector<1x16xf32>,
        %get3A_185 = vector.shape_cast %get3A_184 : vector<1x16xf32> to vector<16xf32>
        %add3A_186 = arith.addf %add3A_179, %get3A_185 : vector<16xf32>
        %bitcast_convert_type3A_187 = tpu.bitcast %add3A_186 : vector<16xf32> -> vector<16xi32>
        %or3A_188 = arith.constant -2147483648 : i32
        %or3A_189 = vector.broadcast %or3A_188 : i32 to vector<16xi32>
        %or3A_190 = arith.ori %bitcast_convert_type3A_187, %or3A_189 : vector<16xi32>
        %bitcast_convert_type3A_191 = tpu.bitcast %or3A_190 : vector<16xi32> -> vector<16xf32>
        %exp3A_192 = math.exp %bitcast_convert_type3A_191 : vector<16xf32>
        %sub3A_193 = arith.constant 1.000000e+00 : f32
        %sub3A_194 = vector.broadcast %sub3A_193 : f32 to vector<16xf32>
        %sub3A_195 = arith.subf %sub3A_194, %exp3A_192 : vector<16xf32>
        %add3A_196 = arith.constant 1.000000e+00 : f32
        %add3A_197 = vector.broadcast %add3A_196 : f32 to vector<16xf32>
        %add3A_198 = arith.addf %add3A_197, %exp3A_192 : vector<16xf32>
        %div3A_199 = arith.divf %sub3A_195, %add3A_198 : vector<16xf32>
        %bitcast_convert_type3A_200 = tpu.bitcast %div3A_199 : vector<16xf32> -> vector<16xi32>
        %and3A_201 = arith.constant -2147483648 : i32
        %and3A_202 = vector.broadcast %and3A_201 : i32 to vector<16xi32>
        %and3A_203 = arith.andi %bitcast_convert_type3A_187, %and3A_202 : vector<16xi32>
        %or3A_204 = arith.ori %bitcast_convert_type3A_200, %and3A_203 : vector<16xi32>
        %bitcast_convert_type3A_205 = tpu.bitcast %or3A_204 : vector<16xi32> -> vector<16xf32>
        %swap3A_206 = arith.index_cast %scan3A_92 : i32 to index
        %swap3A_207 = arith.constant 32 : index
        %swap3A_208 = tpu.vector_load %arg9[%swap3A_206, %swap3A_207] {strides = array<i32>} : memref<40x128xf32, #tpu.memory_space<vmem>>, vector<1x16xf32>,
        %swap3A_209 = vector.shape_cast %swap3A_208 : vector<1x16xf32> to vector<16xf32>
        %swap3A_210 = vector.shape_cast %bitcast_convert_type3A_205 : vector<16xf32> to vector<1x16xf32>
        tpu.vector_store %arg9[%swap3A_206, %swap3A_207], %swap3A_210 {strides = array<i32>} : memref<40x128xf32, #tpu.memory_space<vmem>>, vector<1x16xf32>,
        %get3A_211 = arith.index_cast %scan3A_92 : i32 to index
        %get3A_212 = arith.constant 48 : index
        %get3A_213 = tpu.vector_load %arg7[%get3A_211, %get3A_212] {strides = array<i32>} : memref<120x128xf32, #tpu.memory_space<vmem>>, vector<1x16xf32>,
        %get3A_214 = vector.shape_cast %get3A_213 : vector<1x16xf32> to vector<16xf32>
        %add3A_215 = arith.constant 40 : i32
        %add3A_216 = arith.addi %scan3A_92, %add3A_215 : i32
        %get3A_217 = arith.index_cast %add3A_216 : i32 to index
        %get3A_218 = arith.constant 48 : index
        %get3A_219 = tpu.vector_load %arg7[%get3A_217, %get3A_218] {strides = array<i32>} : memref<120x128xf32, #tpu.memory_space<vmem>>, vector<1x16xf32>,
        %get3A_220 = vector.shape_cast %get3A_219 : vector<1x16xf32> to vector<16xf32>
        %add3A_221 = arith.addf %get3A_214, %get3A_220 : vector<16xf32>
        %add3A_222 = arith.constant 80 : i32
        %add3A_223 = arith.addi %scan3A_92, %add3A_222 : i32
        %get3A_224 = arith.index_cast %add3A_223 : i32 to index
        %get3A_225 = arith.constant 48 : index
        %get3A_226 = tpu.vector_load %arg7[%get3A_224, %get3A_225] {strides = array<i32>} : memref<120x128xf32, #tpu.memory_space<vmem>>, vector<1x16xf32>,
        %get3A_227 = vector.shape_cast %get3A_226 : vector<1x16xf32> to vector<16xf32>
        %add3A_228 = arith.addf %add3A_221, %get3A_227 : vector<16xf32>
        %bitcast_convert_type3A_229 = tpu.bitcast %add3A_228 : vector<16xf32> -> vector<16xi32>
        %or3A_230 = arith.constant -2147483648 : i32
        %or3A_231 = vector.broadcast %or3A_230 : i32 to vector<16xi32>
        %or3A_232 = arith.ori %bitcast_convert_type3A_229, %or3A_231 : vector<16xi32>
        %bitcast_convert_type3A_233 = tpu.bitcast %or3A_232 : vector<16xi32> -> vector<16xf32>
        %exp3A_234 = math.exp %bitcast_convert_type3A_233 : vector<16xf32>
        %sub3A_235 = arith.constant 1.000000e+00 : f32
        %sub3A_236 = vector.broadcast %sub3A_235 : f32 to vector<16xf32>
        %sub3A_237 = arith.subf %sub3A_236, %exp3A_234 : vector<16xf32>
        %add3A_238 = arith.constant 1.000000e+00 : f32
        %add3A_239 = vector.broadcast %add3A_238 : f32 to vector<16xf32>
        %add3A_240 = arith.addf %add3A_239, %exp3A_234 : vector<16xf32>
        %div3A_241 = arith.divf %sub3A_237, %add3A_240 : vector<16xf32>
        %bitcast_convert_type3A_242 = tpu.bitcast %div3A_241 : vector<16xf32> -> vector<16xi32>
        %and3A_243 = arith.constant -2147483648 : i32
        %and3A_244 = vector.broadcast %and3A_243 : i32 to vector<16xi32>
        %and3A_245 = arith.andi %bitcast_convert_type3A_229, %and3A_244 : vector<16xi32>
        %or3A_246 = arith.ori %bitcast_convert_type3A_242, %and3A_245 : vector<16xi32>
        %bitcast_convert_type3A_247 = tpu.bitcast %or3A_246 : vector<16xi32> -> vector<16xf32>
        %swap3A_248 = arith.index_cast %scan3A_92 : i32 to index
        %swap3A_249 = arith.constant 48 : index
        %swap3A_250 = tpu.vector_load %arg9[%swap3A_248, %swap3A_249] {strides = array<i32>} : memref<40x128xf32, #tpu.memory_space<vmem>>, vector<1x16xf32>,
        %swap3A_251 = vector.shape_cast %swap3A_250 : vector<1x16xf32> to vector<16xf32>
        %swap3A_252 = vector.shape_cast %bitcast_convert_type3A_247 : vector<16xf32> to vector<1x16xf32>
        tpu.vector_store %arg9[%swap3A_248, %swap3A_249], %swap3A_252 {strides = array<i32>} : memref<40x128xf32, #tpu.memory_space<vmem>>, vector<1x16xf32>,
        %get3A_253 = arith.index_cast %scan3A_92 : i32 to index
        %get3A_254 = arith.constant 64 : index
        %get3A_255 = tpu.vector_load %arg7[%get3A_253, %get3A_254] {strides = array<i32>} : memref<120x128xf32, #tpu.memory_space<vmem>>, vector<1x16xf32>,
        %get3A_256 = vector.shape_cast %get3A_255 : vector<1x16xf32> to vector<16xf32>
        %add3A_257 = arith.constant 40 : i32
        %add3A_258 = arith.addi %scan3A_92, %add3A_257 : i32
        %get3A_259 = arith.index_cast %add3A_258 : i32 to index
        %get3A_260 = arith.constant 64 : index
        %get3A_261 = tpu.vector_load %arg7[%get3A_259, %get3A_260] {strides = array<i32>} : memref<120x128xf32, #tpu.memory_space<vmem>>, vector<1x16xf32>,
        %get3A_262 = vector.shape_cast %get3A_261 : vector<1x16xf32> to vector<16xf32>
        %add3A_263 = arith.addf %get3A_256, %get3A_262 : vector<16xf32>
        %add3A_264 = arith.constant 80 : i32
        %add3A_265 = arith.addi %scan3A_92, %add3A_264 : i32
        %get3A_266 = arith.index_cast %add3A_265 : i32 to index
        %get3A_267 = arith.constant 64 : index
        %get3A_268 = tpu.vector_load %arg7[%get3A_266, %get3A_267] {strides = array<i32>} : memref<120x128xf32, #tpu.memory_space<vmem>>, vector<1x16xf32>,
        %get3A_269 = vector.shape_cast %get3A_268 : vector<1x16xf32> to vector<16xf32>
        %add3A_270 = arith.addf %add3A_263, %get3A_269 : vector<16xf32>
        %bitcast_convert_type3A_271 = tpu.bitcast %add3A_270 : vector<16xf32> -> vector<16xi32>
        %or3A_272 = arith.constant -2147483648 : i32
        %or3A_273 = vector.broadcast %or3A_272 : i32 to vector<16xi32>
        %or3A_274 = arith.ori %bitcast_convert_type3A_271, %or3A_273 : vector<16xi32>
        %bitcast_convert_type3A_275 = tpu.bitcast %or3A_274 : vector<16xi32> -> vector<16xf32>
        %exp3A_276 = math.exp %bitcast_convert_type3A_275 : vector<16xf32>
        %sub3A_277 = arith.constant 1.000000e+00 : f32
        %sub3A_278 = vector.broadcast %sub3A_277 : f32 to vector<16xf32>
        %sub3A_279 = arith.subf %sub3A_278, %exp3A_276 : vector<16xf32>
        %add3A_280 = arith.constant 1.000000e+00 : f32
        %add3A_281 = vector.broadcast %add3A_280 : f32 to vector<16xf32>
        %add3A_282 = arith.addf %add3A_281, %exp3A_276 : vector<16xf32>
        %div3A_283 = arith.divf %sub3A_279, %add3A_282 : vector<16xf32>
        %bitcast_convert_type3A_284 = tpu.bitcast %div3A_283 : vector<16xf32> -> vector<16xi32>
        %and3A_285 = arith.constant -2147483648 : i32
        %and3A_286 = vector.broadcast %and3A_285 : i32 to vector<16xi32>
        %and3A_287 = arith.andi %bitcast_convert_type3A_271, %and3A_286 : vector<16xi32>
        %or3A_288 = arith.ori %bitcast_convert_type3A_284, %and3A_287 : vector<16xi32>
        %bitcast_convert_type3A_289 = tpu.bitcast %or3A_288 : vector<16xi32> -> vector<16xf32>
        %swap3A_290 = arith.index_cast %scan3A_92 : i32 to index
        %swap3A_291 = arith.constant 64 : index
        %swap3A_292 = tpu.vector_load %arg9[%swap3A_290, %swap3A_291] {strides = array<i32>} : memref<40x128xf32, #tpu.memory_space<vmem>>, vector<1x16xf32>,
        %swap3A_293 = vector.shape_cast %swap3A_292 : vector<1x16xf32> to vector<16xf32>
        %swap3A_294 = vector.shape_cast %bitcast_convert_type3A_289 : vector<16xf32> to vector<1x16xf32>
        tpu.vector_store %arg9[%swap3A_290, %swap3A_291], %swap3A_294 {strides = array<i32>} : memref<40x128xf32, #tpu.memory_space<vmem>>, vector<1x16xf32>,
        %get3A_295 = arith.index_cast %scan3A_92 : i32 to index
        %get3A_296 = arith.constant 80 : index
        %get3A_297 = tpu.vector_load %arg7[%get3A_295, %get3A_296] {strides = array<i32>} : memref<120x128xf32, #tpu.memory_space<vmem>>, vector<1x16xf32>,
        %get3A_298 = vector.shape_cast %get3A_297 : vector<1x16xf32> to vector<16xf32>
        %add3A_299 = arith.constant 40 : i32
        %add3A_300 = arith.addi %scan3A_92, %add3A_299 : i32
        %get3A_301 = arith.index_cast %add3A_300 : i32 to index
        %get3A_302 = arith.constant 80 : index
        %get3A_303 = tpu.vector_load %arg7[%get3A_301, %get3A_302] {strides = array<i32>} : memref<120x128xf32, #tpu.memory_space<vmem>>, vector<1x16xf32>,
        %get3A_304 = vector.shape_cast %get3A_303 : vector<1x16xf32> to vector<16xf32>
        %add3A_305 = arith.addf %get3A_298, %get3A_304 : vector<16xf32>
        %add3A_306 = arith.constant 80 : i32
        %add3A_307 = arith.addi %scan3A_92, %add3A_306 : i32
        %get3A_308 = arith.index_cast %add3A_307 : i32 to index
        %get3A_309 = arith.constant 80 : index
        %get3A_310 = tpu.vector_load %arg7[%get3A_308, %get3A_309] {strides = array<i32>} : memref<120x128xf32, #tpu.memory_space<vmem>>, vector<1x16xf32>,
        %get3A_311 = vector.shape_cast %get3A_310 : vector<1x16xf32> to vector<16xf32>
        %add3A_312 = arith.addf %add3A_305, %get3A_311 : vector<16xf32>
        %bitcast_convert_type3A_313 = tpu.bitcast %add3A_312 : vector<16xf32> -> vector<16xi32>
        %or3A_314 = arith.constant -2147483648 : i32
        %or3A_315 = vector.broadcast %or3A_314 : i32 to vector<16xi32>
        %or3A_316 = arith.ori %bitcast_convert_type3A_313, %or3A_315 : vector<16xi32>
        %bitcast_convert_type3A_317 = tpu.bitcast %or3A_316 : vector<16xi32> -> vector<16xf32>
        %exp3A_318 = math.exp %bitcast_convert_type3A_317 : vector<16xf32>
        %sub3A_319 = arith.constant 1.000000e+00 : f32
        %sub3A_320 = vector.broadcast %sub3A_319 : f32 to vector<16xf32>
        %sub3A_321 = arith.subf %sub3A_320, %exp3A_318 : vector<16xf32>
        %add3A_322 = arith.constant 1.000000e+00 : f32
        %add3A_323 = vector.broadcast %add3A_322 : f32 to vector<16xf32>
        %add3A_324 = arith.addf %add3A_323, %exp3A_318 : vector<16xf32>
        %div3A_325 = arith.divf %sub3A_321, %add3A_324 : vector<16xf32>
        %bitcast_convert_type3A_326 = tpu.bitcast %div3A_325 : vector<16xf32> -> vector<16xi32>
        %and3A_327 = arith.constant -2147483648 : i32
        %and3A_328 = vector.broadcast %and3A_327 : i32 to vector<16xi32>
        %and3A_329 = arith.andi %bitcast_convert_type3A_313, %and3A_328 : vector<16xi32>
        %or3A_330 = arith.ori %bitcast_convert_type3A_326, %and3A_329 : vector<16xi32>
        %bitcast_convert_type3A_331 = tpu.bitcast %or3A_330 : vector<16xi32> -> vector<16xf32>
        %swap3A_332 = arith.index_cast %scan3A_92 : i32 to index
        %swap3A_333 = arith.constant 80 : index
        %swap3A_334 = tpu.vector_load %arg9[%swap3A_332, %swap3A_333] {strides = array<i32>} : memref<40x128xf32, #tpu.memory_space<vmem>>, vector<1x16xf32>,
        %swap3A_335 = vector.shape_cast %swap3A_334 : vector<1x16xf32> to vector<16xf32>
        %swap3A_336 = vector.shape_cast %bitcast_convert_type3A_331 : vector<16xf32> to vector<1x16xf32>
        tpu.vector_store %arg9[%swap3A_332, %swap3A_333], %swap3A_336 {strides = array<i32>} : memref<40x128xf32, #tpu.memory_space<vmem>>, vector<1x16xf32>,
        %get3A_337 = arith.index_cast %scan3A_92 : i32 to index
        %get3A_338 = arith.constant 96 : index
        %get3A_339 = tpu.vector_load %arg7[%get3A_337, %get3A_338] {strides = array<i32>} : memref<120x128xf32, #tpu.memory_space<vmem>>, vector<1x16xf32>,
        %get3A_340 = vector.shape_cast %get3A_339 : vector<1x16xf32> to vector<16xf32>
        %add3A_341 = arith.constant 40 : i32
        %add3A_342 = arith.addi %scan3A_92, %add3A_341 : i32
        %get3A_343 = arith.index_cast %add3A_342 : i32 to index
        %get3A_344 = arith.constant 96 : index
        %get3A_345 = tpu.vector_load %arg7[%get3A_343, %get3A_344] {strides = array<i32>} : memref<120x128xf32, #tpu.memory_space<vmem>>, vector<1x16xf32>,
        %get3A_346 = vector.shape_cast %get3A_345 : vector<1x16xf32> to vector<16xf32>
        %add3A_347 = arith.addf %get3A_340, %get3A_346 : vector<16xf32>
        %add3A_348 = arith.constant 80 : i32
        %add3A_349 = arith.addi %scan3A_92, %add3A_348 : i32
        %get3A_350 = arith.index_cast %add3A_349 : i32 to index
        %get3A_351 = arith.constant 96 : index
        %get3A_352 = tpu.vector_load %arg7[%get3A_350, %get3A_351] {strides = array<i32>} : memref<120x128xf32, #tpu.memory_space<vmem>>, vector<1x16xf32>,
        %get3A_353 = vector.shape_cast %get3A_352 : vector<1x16xf32> to vector<16xf32>
        %add3A_354 = arith.addf %add3A_347, %get3A_353 : vector<16xf32>
        %bitcast_convert_type3A_355 = tpu.bitcast %add3A_354 : vector<16xf32> -> vector<16xi32>
        %or3A_356 = arith.constant -2147483648 : i32
        %or3A_357 = vector.broadcast %or3A_356 : i32 to vector<16xi32>
        %or3A_358 = arith.ori %bitcast_convert_type3A_355, %or3A_357 : vector<16xi32>
        %bitcast_convert_type3A_359 = tpu.bitcast %or3A_358 : vector<16xi32> -> vector<16xf32>
        %exp3A_360 = math.exp %bitcast_convert_type3A_359 : vector<16xf32>
        %sub3A_361 = arith.constant 1.000000e+00 : f32
        %sub3A_362 = vector.broadcast %sub3A_361 : f32 to vector<16xf32>
        %sub3A_363 = arith.subf %sub3A_362, %exp3A_360 : vector<16xf32>
        %add3A_364 = arith.constant 1.000000e+00 : f32
        %add3A_365 = vector.broadcast %add3A_364 : f32 to vector<16xf32>
        %add3A_366 = arith.addf %add3A_365, %exp3A_360 : vector<16xf32>
        %div3A_367 = arith.divf %sub3A_363, %add3A_366 : vector<16xf32>
        %bitcast_convert_type3A_368 = tpu.bitcast %div3A_367 : vector<16xf32> -> vector<16xi32>
        %and3A_369 = arith.constant -2147483648 : i32
        %and3A_370 = vector.broadcast %and3A_369 : i32 to vector<16xi32>
        %and3A_371 = arith.andi %bitcast_convert_type3A_355, %and3A_370 : vector<16xi32>
        %or3A_372 = arith.ori %bitcast_convert_type3A_368, %and3A_371 : vector<16xi32>
        %bitcast_convert_type3A_373 = tpu.bitcast %or3A_372 : vector<16xi32> -> vector<16xf32>
        %swap3A_374 = arith.index_cast %scan3A_92 : i32 to index
        %swap3A_375 = arith.constant 96 : index
        %swap3A_376 = tpu.vector_load %arg9[%swap3A_374, %swap3A_375] {strides = array<i32>} : memref<40x128xf32, #tpu.memory_space<vmem>>, vector<1x16xf32>,
        %swap3A_377 = vector.shape_cast %swap3A_376 : vector<1x16xf32> to vector<16xf32>
        %swap3A_378 = vector.shape_cast %bitcast_convert_type3A_373 : vector<16xf32> to vector<1x16xf32>
        tpu.vector_store %arg9[%swap3A_374, %swap3A_375], %swap3A_378 {strides = array<i32>} : memref<40x128xf32, #tpu.memory_space<vmem>>, vector<1x16xf32>,
        %get3A_379 = arith.index_cast %scan3A_92 : i32 to index
        %get3A_380 = arith.constant 112 : index
        %get3A_381 = tpu.vector_load %arg7[%get3A_379, %get3A_380] {strides = array<i32>} : memref<120x128xf32, #tpu.memory_space<vmem>>, vector<1x16xf32>,
        %get3A_382 = vector.shape_cast %get3A_381 : vector<1x16xf32> to vector<16xf32>
        %add3A_383 = arith.constant 40 : i32
        %add3A_384 = arith.addi %scan3A_92, %add3A_383 : i32
        %get3A_385 = arith.index_cast %add3A_384 : i32 to index
        %get3A_386 = arith.constant 112 : index
        %get3A_387 = tpu.vector_load %arg7[%get3A_385, %get3A_386] {strides = array<i32>} : memref<120x128xf32, #tpu.memory_space<vmem>>, vector<1x16xf32>,
        %get3A_388 = vector.shape_cast %get3A_387 : vector<1x16xf32> to vector<16xf32>
        %add3A_389 = arith.addf %get3A_382, %get3A_388 : vector<16xf32>
        %add3A_390 = arith.constant 80 : i32
        %add3A_391 = arith.addi %scan3A_92, %add3A_390 : i32
        %get3A_392 = arith.index_cast %add3A_391 : i32 to index
        %get3A_393 = arith.constant 112 : index
        %get3A_394 = tpu.vector_load %arg7[%get3A_392, %get3A_393] {strides = array<i32>} : memref<120x128xf32, #tpu.memory_space<vmem>>, vector<1x16xf32>,
        %get3A_395 = vector.shape_cast %get3A_394 : vector<1x16xf32> to vector<16xf32>
        %add3A_396 = arith.addf %add3A_389, %get3A_395 : vector<16xf32>
        %bitcast_convert_type3A_397 = tpu.bitcast %add3A_396 : vector<16xf32> -> vector<16xi32>
        %or3A_398 = arith.constant -2147483648 : i32
        %or3A_399 = vector.broadcast %or3A_398 : i32 to vector<16xi32>
        %or3A_400 = arith.ori %bitcast_convert_type3A_397, %or3A_399 : vector<16xi32>
        %bitcast_convert_type3A_401 = tpu.bitcast %or3A_400 : vector<16xi32> -> vector<16xf32>
        %exp3A_402 = math.exp %bitcast_convert_type3A_401 : vector<16xf32>
        %sub3A_403 = arith.constant 1.000000e+00 : f32
        %sub3A_404 = vector.broadcast %sub3A_403 : f32 to vector<16xf32>
        %sub3A_405 = arith.subf %sub3A_404, %exp3A_402 : vector<16xf32>
        %add3A_406 = arith.constant 1.000000e+00 : f32
        %add3A_407 = vector.broadcast %add3A_406 : f32 to vector<16xf32>
        %add3A_408 = arith.addf %add3A_407, %exp3A_402 : vector<16xf32>
        %div3A_409 = arith.divf %sub3A_405, %add3A_408 : vector<16xf32>
        %bitcast_convert_type3A_410 = tpu.bitcast %div3A_409 : vector<16xf32> -> vector<16xi32>
        %and3A_411 = arith.constant -2147483648 : i32
        %and3A_412 = vector.broadcast %and3A_411 : i32 to vector<16xi32>
        %and3A_413 = arith.andi %bitcast_convert_type3A_397, %and3A_412 : vector<16xi32>
        %or3A_414 = arith.ori %bitcast_convert_type3A_410, %and3A_413 : vector<16xi32>
        %bitcast_convert_type3A_415 = tpu.bitcast %or3A_414 : vector<16xi32> -> vector<16xf32>
        %swap3A_416 = arith.index_cast %scan3A_92 : i32 to index
        %swap3A_417 = arith.constant 112 : index
        %swap3A_418 = tpu.vector_load %arg9[%swap3A_416, %swap3A_417] {strides = array<i32>} : memref<40x128xf32, #tpu.memory_space<vmem>>, vector<1x16xf32>,
        %swap3A_419 = vector.shape_cast %swap3A_418 : vector<1x16xf32> to vector<16xf32>
        %swap3A_420 = vector.shape_cast %bitcast_convert_type3A_415 : vector<16xf32> to vector<1x16xf32>
        tpu.vector_store %arg9[%swap3A_416, %swap3A_417], %swap3A_420 {strides = array<i32>} : memref<40x128xf32, #tpu.memory_space<vmem>>, vector<1x16xf32>,
      }
      %scan3A_84 = arith.constant 40 : i32
      %mul3A_85 = arith.constant 40 : i32
      %mul3A_86 = arith.muli %add3A_60, %mul3A_85 : i32
      %add3A_87 = arith.addi %mul3A_2, %mul3A_86 : i32
      %dma_start3A_88 = arith.constant 0 : i32
      %dma_start3A_89 = tpu.memref_slice %arg4[%add3A_87, %dma_start3A_88] : memref<320000x128xf32, #tpu.memory_space<hbm>> -> memref<40x128xf32, #tpu.memory_space<hbm>>
      %dma_start3A_90 = arith.constant 0 : i32
      %dma_start3A_91 = tpu.memref_slice %arg4[%add3A_87, %dma_start3A_90] : memref<320000x128xf32, #tpu.memory_space<hbm>> -> memref<40x128xf32, #tpu.memory_space<hbm>>
      tpu.enqueue_dma source(%arg9 : memref<40x128xf32, #tpu.memory_space<vmem>>) target(%dma_start3A_91 : memref<40x128xf32, #tpu.memory_space<hbm>>) target_semaphore(%arg13 : memref<!tpu.dma_semaphore, #tpu.memory_space<semaphore_mem>>)
    }
    %scan3A_13 = arith.constant 125 : i32
    %add3A_14 = arith.constant 9920 : i32
    %add3A_15 = arith.addi %mul3A_2, %add3A_14 : i32
    %dma_wait3A = arith.constant 0 : i32
    %dma_wait3A_16 = tpu.memref_slice %arg4[%add3A_15, %dma_wait3A] : memref<320000x128xf32, #tpu.memory_space<hbm>> -> memref<40x128xf32, #tpu.memory_space<hbm>>
    %dma_wait3A_17 = arith.constant 0 : i32
    %dma_wait3A_18 = tpu.memref_slice %arg4[%add3A_15, %dma_wait3A_17] : memref<320000x128xf32, #tpu.memory_space<hbm>> -> memref<40x128xf32, #tpu.memory_space<hbm>>
    tpu.wait_dma2 semaphore(%arg12 : memref<!tpu.dma_semaphore, #tpu.memory_space<semaphore_mem>>) src(%arg8 : memref<40x128xf32, #tpu.memory_space<vmem>>) dst(%dma_wait3A_18 : memref<40x128xf32, #tpu.memory_space<hbm>>)
    %add3A_19 = arith.constant 9960 : i32
    %add3A_20 = arith.addi %mul3A_2, %add3A_19 : i32
    %dma_wait3A_21 = arith.constant 0 : i32
    %dma_wait3A_22 = tpu.memref_slice %arg4[%add3A_20, %dma_wait3A_21] : memref<320000x128xf32, #tpu.memory_space<hbm>> -> memref<40x128xf32, #tpu.memory_space<hbm>>
    %dma_wait3A_23 = arith.constant 0 : i32
    %dma_wait3A_24 = tpu.memref_slice %arg4[%add3A_20, %dma_wait3A_23] : memref<320000x128xf32, #tpu.memory_space<hbm>> -> memref<40x128xf32, #tpu.memory_space<hbm>>
    tpu.wait_dma2 semaphore(%arg13 : memref<!tpu.dma_semaphore, #tpu.memory_space<semaphore_mem>>) src(%arg9 : memref<40x128xf32, #tpu.memory_space<vmem>>) dst(%dma_wait3A_24 : memref<40x128xf32, #tpu.memory_space<hbm>>)
    return
  }
}

module attributes {stable_mosaic.version = 14 : i64} {
  func.func @_scale_body(%arg0: i32, %arg1: memref<3xf32, #tpu.memory_space<smem>>, %arg2: memref<10000x128xf32, #tpu.memory_space<vmem>>, %arg3: memref<10000x128xf32, #tpu.memory_space<vmem>>) attributes {dimension_semantics = [#tpu.dimension_semantics<arbitrary>], iteration_bounds = array<i64: 3>, scalar_prefetch = 0 : i64, scratch_operands = 0 : i64, tpu.core_type = #tpu.core_type<tc>, window_params = [{transform_indices = @transform_0, window_bounds = array<i64: 3>}, {pipeline_mode = #tpu.pipeline_mode<synchronous>, transform_indices = @transform_1, window_bounds = array<i64: 10000, 128>}, {transform_indices = @transform_2, window_bounds = array<i64: 10000, 128>}]} {
    %get3A = arith.constant 0 : index
    %get3A_0 = arith.constant 0 : index
    %get3A_1 = vector.load %arg2[%get3A, %get3A_0] : memref<10000x128xf32, #tpu.memory_space<vmem>>, vector<10000x128xf32>
    %get3A_2 = arith.index_cast %arg0 : i32 to index
    %get3A_3 = memref.load %arg1[%get3A_2] : memref<3xf32, #tpu.memory_space<smem>>
    %mul3A = arith.constant 2.000000e+00 : f32
    %mul3A_4 = arith.mulf %get3A_3, %mul3A : f32
    %mul3A_5 = vector.broadcast %mul3A_4 : f32 to vector<10000x128xf32>
    %mul3A_6 = arith.mulf %get3A_1, %mul3A_5 : vector<10000x128xf32>
    %swap3A = arith.constant 0 : index
    %swap3A_7 = arith.constant 0 : index
    %swap3A_8 = vector.load %arg3[%swap3A, %swap3A_7] : memref<10000x128xf32, #tpu.memory_space<vmem>>, vector<10000x128xf32>
    tpu.vector_store %arg3[%swap3A, %swap3A_7], %mul3A_6 {strides = array<i32>} : memref<10000x128xf32, #tpu.memory_space<vmem>>, vector<10000x128xf32>,
    return
  }
  func.func @transform_0(%arg0: i32) -> i32 {
    %c0_i32 = arith.constant 0 : i32
    %c0_i32_0 = arith.constant 0 : i32
    return %c0_i32 : i32
  }
  func.func @transform_1(%arg0: i32) -> (i32, i32) {
    %c0_i32 = arith.constant 0 : i32
    %c0_i32_0 = arith.constant 0 : i32
    %c0_i32_1 = arith.constant 0 : i32
    return %c0_i32, %c0_i32_0 : i32, i32
  }
  func.func @transform_2(%arg0: i32) -> (i32, i32) {
    %c0_i32 = arith.constant 0 : i32
    %c0_i32_0 = arith.constant 0 : i32
    return %arg0, %c0_i32 : i32, i32
  }
}

</mosaic_0001>

<sc_bundles>
// kernel: kernel.4.cloned.1.call-start
scs
__scs_entry_jumppad:
0x0: {  	(pc) =	sbr.rel $0x88, $3  }
0x1: {  	(tag) =	ssettag $0x0;
	lr =	simm.s32 $0x1  }
0x2: {  	[smem:$0x3F9E] =	sst lr;
	_ =	strace $0xD0000000  }
0x3: {  	_ = 	snop  }
0x4: {  	_ = 	snop  }
0x5: {  	_ = 	snop  }
0x6: {  	_ = 	snop  }
0x7: {  	_ = 	snop  }
__scs_overlays_trampoline_lowered:
0x8: {  	[smem:$0x3FAD] =	sst s0  }
0x9: {  	[smem:$0x3FAE] =	sst s1  }
0xa: {  	[smem:$0x3FAF] =	sst s2  }
0xb: {  	[smem:$0x3FB0] =	sst s3  }
0xc: {  	[smem:$0x3FB1] =	sst s4  }
0xd: {  	[smem:$0x3FB2] =	sst s5  }
0xe: {  	[smem:$0x3FB3] =	sst s6  }
0xf: {  	[smem:$0x3FB4] =	sst s7  }
0x10: {  	[smem:$0x3FB5] =	sst s8  }
0x11: {  	[smem:$0x3FB6] =	sst s9;
	s0 =	simm.s32 @!p0 $0x0  }
0x12: {  	s1 =	sld [smem:$0x3F9C];
	s0 =	simm.s32 @p0 $0x1  }
0x13: {  	[smem:$0x3FB7] =	sst s0;
	s0 =	simm.s32 @!p1 $0x0  }
0x14: {  	s2 =	sld [smem:$0x3F9B];
	s0 =	simm.s32 @p1 $0x1  }
0x15: {  	[smem:$0x3FB8] =	sst s0;
	s0 =	simm.s32 @!p2 $0x0  }
0x16: {  	s3 =	sld [smem:$0x3FDB];
	s0 =	simm.s32 @p2 $0x1  }
0x17: {  	s4 =	simm.s32 $0x1BF5;
	[smem:$0x3FBA] =	sst s0  }
0x18: {  	s0 =	sld [smem:$0x3F9D];
	_ =	swait.ge [sflag:s4], $0x0  }
0x19: {  	s7 =	sld [smem:$0x3F9E]  }
0x1a: {  	s8 =	sadd.s32 $0xFFFFE003, lr  }
0x1b: {  	s9 =	sadd.s32 $0xFFFFFEF7, lr;
	s5 =	simm.s32 $0xFFFFFFFF;
	p2 =	slt.u32 s8, $0xFFFFF086  }
0x1c: {  	p1 =	slt.u32 s9, $0xF7A;
	s5 =	simm.s32 @!p2 $0x0  }
0x1d: {  	s5 =	simm.s32 @p1 $0x1;
	p0 =	seq.s32 s7, s2  }
0x1e: {  	s7 =	smul.u32 @!p0 $0xF7A, s2;
	p2 =	seq.s32 @!p0 s5, $0x0  }
0x1f: {  	s9 =	smul.u32 $0xF7A, s1;
	s8 =	simm.s32 @!p0 $0x1BF5;
	p2 =	por !p2, p0  }
0x20: {  	[sflag:s8] =	ssyncset.s32 @!p0 $0xFFFFF086;
	s6 =	sadd.s32 @!p0 s3, s7;
	s7 =	simm.s32 @!p0 $0x108  }
0x21: {  	s3 =	sadd.s32 s3, s9;
	s6 =	sadd.s32 @!p0 $0x88, s6;
	s7 =	simm.s32 @p2 $0x1082  }
0x22: {  	[simem:s7], [sflag:s8] =	dma.local @!p0 [hbm:s6], $0xF7A  }
0x23: {  	s9 =	sor.u32 $0xD0000000, s2;
	s6 =	simm.s32 $0x108;
	_ =	swait.ge @!p0 [sflag:s8], $0x0  }
0x24: {  	s3 =	sadd.s32 $0x88, s3;
	s6 =	simm.s32 @!p1 $0x1082;
	[sflag:s4] =	ssyncset.s32 $0xFFFFF086  }
0x25: {  	[simem:s6], [sflag:s4] =	dma.local [hbm:s3], $0xF7A  }
0x26: {  	[smem:$0x3F9E] =	sst s1;
	(tag) =	ssettag s2;
	_ =	strace s9  }
0x27: {  	s1 =	sld [smem:$0x3FAE]  }
0x28: {  	s2 =	sld [smem:$0x3FAF]  }
0x29: {  	s4 =	sld [smem:$0x3FB1]  }
0x2a: {  	p0 =	seq.s32 s5, $0x0;
	s5 =	sld [smem:$0x3FB2]  }
0x2b: {  	s6 =	sld [smem:$0x3FB3]  }
0x2c: {  	s7 =	sld [smem:$0x3FB4]  }
0x2d: {  	s3 =	simm.s32 $0x108;
	s8 =	sld [smem:$0x3FB5]  }
0x2e: {  	s3 =	simm.s32 @!p0 $0x1082;
	s9 =	sld [smem:$0x3FB6]  }
0x2f: {  	lr =	sadd.s32 s0, s3;
	s0 =	sld [smem:$0x3FAD]  }
0x30: {  	s3 =	sld [smem:$0x3FB0]  }
0x31: {  	[smem:$0x3FB9] =	sst s10  }
0x32: {  	s10 =	sld [smem:$0x3FB7];
	_ =	sdelay $0x3  }
0x33: {  	p0 =	seq.s32 s10, $0x1;
	s10 =	sld [smem:$0x3FB9];
	_ =	sdelay $0x3  }
0x34: {  	[smem:$0x3FB9] =	sst s10  }
0x35: {  	s10 =	sld [smem:$0x3FB8];
	_ =	sdelay $0x3  }
0x36: {  	p1 =	seq.s32 s10, $0x1;
	s10 =	sld [smem:$0x3FB9];
	_ =	sdelay $0x3  }
0x37: {  	[smem:$0x3FB9] =	sst s10  }
0x38: {  	s10 =	sld [smem:$0x3FBA]  }
0x39: {  	_ = 	snop;
	(pc) =	sbr.ind lr, $3  }
0x3a: {  	_ = 	snop  }
0x3b: {  	_ = 	snop  }
0x3c: {  	p2 =	seq.s32 s10, $0x1;
	s10 =	sld [smem:$0x3FB9]  }
0x3d: {  	_ =	shalt  }
0x3e: {  	_ =	shalt  }
0x3f: {  	_ =	shalt  }
0x40: {  	_ =	shalt  }
0x41: {  	_ =	shalt  }
0x42: {  	_ =	shalt  }
0x43: {  	_ =	shalt  }
0x44: {  	_ =	shalt  }
0x45: {  	_ =	shalt  }
0x46: {  	_ =	shalt  }
0x47: {  	_ =	shalt  }
0x48: {  	_ =	shalt  }
0x49: {  	_ =	shalt  }
0x4a: {  	_ =	shalt  }
0x4b: {  	_ =	shalt  }
0x4c: {  	_ =	shalt  }
0x4d: {  	_ =	shalt  }
0x4e: {  	_ =	shalt  }
0x4f: {  	_ =	shalt  }
0x50: {  	_ =	shalt  }
0x51: {  	_ =	shalt  }
0x52: {  	_ =	shalt  }
0x53: {  	_ =	shalt  }
0x54: {  	_ =	shalt  }
0x55: {  	_ =	shalt  }
0x56: {  	_ =	shalt  }
0x57: {  	_ =	shalt  }
0x58: {  	_ =	shalt  }
0x59: {  	_ =	shalt  }
0x5a: {  	_ =	shalt  }
0x5b: {  	_ =	shalt  }
0x5c: {  	_ =	shalt  }
0x5d: {  	_ =	shalt  }
0x5e: {  	_ =	shalt  }
0x5f: {  	_ =	shalt  }
0x60: {  	_ =	shalt  }
0x61: {  	_ =	shalt  }
0x62: {  	_ =	shalt  }
0x63: {  	_ =	shalt  }
0x64: {  	_ =	shalt  }
0x65: {  	_ =	shalt  }
0x66: {  	_ =	shalt  }
0x67: {  	_ =	shalt  }
0x68: {  	_ =	shalt  }
0x69: {  	_ =	shalt  }
0x6a: {  	_ =	shalt  }
0x6b: {  	_ =	shalt  }
0x6c: {  	_ =	shalt  }
0x6d: {  	_ =	shalt  }
0x6e: {  	_ =	shalt  }
0x6f: {  	_ =	shalt  }
0x70: {  	_ =	shalt  }
0x71: {  	_ =	shalt  }
0x72: {  	_ =	shalt  }
0x73: {  	_ =	shalt  }
0x74: {  	_ =	shalt  }
0x75: {  	_ =	shalt  }
0x76: {  	_ =	shalt  }
0x77: {  	_ =	shalt  }
0x78: {  	_ =	shalt  }
0x79: {  	_ =	shalt  }
0x7a: {  	_ =	shalt  }
0x7b: {  	_ =	shalt  }
0x7c: {  	_ =	shalt  }
0x7d: {  	_ =	shalt  }
0x7e: {  	_ =	shalt  }
0x7f: {  	_ =	shalt  }
0x80: {  	_ =	shalt  }
0x81: {  	_ =	shalt  }
0x82: {  	_ =	shalt  }
0x83: {  	_ =	shalt  }
0x84: {  	_ =	shalt  }
0x85: {  	_ =	shalt  }
0x86: {  	_ =	shalt  }
0x87: {  	_ =	shalt  }
.Lfunc_end0:
.L_simem_size_0:
called_computation_lowered:
.L_overlay_start_0:
0x88: {  	s2 =	sld [smem:$0x3FD9]  }
0x89: {  	s3 =	sld [smem:$0x3FFE];
	_ =	sdelay $0x1  }
0x8a: {  	s1 =	srdreg.scid  }
0x8b: {  	s0 =	sand.u32 $0x1, s1  }
0x8c: {  	s17 =	sshll.u32 s0, $0xA;
	s2 =	sadd.s32 s3, s2  }
0x8d: {  	s2 =	sadd.s32 s2, s17  }
0x8e: {  	[smem:$0x3FC5] =	sst s2  }
0x8f: {  	_ = 	snop  }
0x90: {  	s2 =	sld [smem:$0x3FD0];
	(tm) =	ssettm $0x1  }
0x91: {  	s18 =	sld [smem:$0x3FFB];
	_ =	sdelay $0x3  }
0x92: {  	_ =	strace s18  }
0x93: {  	s3 =	sld [smem:$0x3FFC];
	_ =	sdelay $0x3  }
0x94: {  	_ =	strace s3  }
0x95: {  	s3 =	sld [smem:$0x3FFD];
	_ =	sdelay $0x3  }
0x96: {  	_ =	strace s3  }
0x97: {  	_ =	strace $0x8FFFFFFF  }
0x98: {  	s19 =	sld [smem:$0x3FDB];
	_ =	sdelay $0x1  }
0x99: {  	s4 =	simm.s32 $_scs_section_size  }
0x9a: {  	s5 =	simm.s32 $_size__tile_overlayer_lowered;
	s6 =	simm.s32 $_tile_overlayer_lowered  }
0x9b: {  	s22 =	simm.s32 $0x1BFF;
	s21 =	sshll.u32 s6, $0x1;
	s3 =	sadd.s32 s4, s19  }
0x9c: {  	s7 =	simm.s32 $0x0;
	s20 =	sshll.u32 s5, $0x1;
	s5 =	sadd.s32 s21, s3  }
0x9d: {  	[timem:s7], [sflag:s22] =	dma.local [hbm:s5], s20  }
0x9e: {  	_ =	swait.ge [sflag:s22], s20  }
0x9f: {  	s4 =	ssub.s32 $0x0, s20;
	[sflag:s22] =	ssyncset.done $0x0  }
0xa0: {  	[sflag:s22] =	ssyncadd.s32 s4;
	_ =	sdelay $0x1  }
0xa1: {  	s23 =	simm.s32 $0x1B8B  }
0xa2: {  	_ =	swait.ge [sflag:s23], $0x1  }
0xa3: {  	[sflag:s23] =	ssyncset.done $0x0  }
0xa4: {  	s25 =	simm.s32 $0x1B8E;
	s24 =	sld [smem:$0x3FFE];
	[sflag:s23] =	ssyncadd.s32 $0xFFFFFFFF  }
0xa5: {  	s26 =	simm.s32 $execute0_lowered;
	[smem:$0x3FD2] =	sst s25  }
0xa6: {  	s5 =	sshll.u32 s26, $0x1;
	_ =	strace $0x80000046;
	[dreg:$0x1] =	wrdreg $0xFFFFFFFF  }
0xa7: {  	s28 =	simm.s32 $_size_execute0_lowered;
	s3 =	sadd.s32 s3, s5;
	[dreg:$0x0] =	wrdreg $0x0  }
0xa8: {  	s5 =	sshll.u32 s28, $0x1;
	[dreg:$0x2] =	wrdreg s3  }
0xa9: {  	[dreg:$0x3] =	wrdreg s5  }
0xaa: {  	[dreg:$0x4] =	wrdreg $0xC0  }
0xab: {  	_ =	task [dreg:s7], $0x5FFFF  }
0xac: {  	[dreg:$0x1] =	wrdreg $0xFFFFFFFF  }
0xad: {  	[dreg:$0x0] =	wrdreg $0x60  }
0xae: {  	[dreg:$0x2] =	wrdreg s24  }
0xaf: {  	[dreg:$0x3] =	wrdreg s2  }
0xb0: {  	[dreg:$0x4] =	wrdreg $0x9  }
0xb1: {  	_ =	task.clear_ibuf [dreg:s7], $0x5FFFF;
	_ =	strace $0x90000046  }
0xb2: {  	s29 =	simm.s32 $0x9;
	_ =	strace $0x80000048  }
0xb3: {  	_ =	swait.ge [sflag:s29], $0x1  }
0xb4: {  	[sflag:s29] =	ssyncadd.s32 $0xFFFFFFFF  }
0xb5: {  	_ =	strace $0x90000048  }
0xb6: {  	_ =	sfence  }
0xb7: {  	s30 =	sld [smem:$0x0];
	_ =	sdelay $0x2  }
0xb8: {  	s31 =	sshll.u32 s1, $0xD;
	s1 =	sshrl.u32 s1, $0x2  }
0xb9: {  	s3 =	sand.u32 $0x4000, s31;
	s1 =	sadd.s32 s1, s30  }
0xba: {  	s0 =	sor.u32 s3, s0;
	s1 =	sshll.u32 s1, $0x11  }
0xbb: {  	s0 =	sor.u32 s1, s0  }
0xbc: {  	s0 =	sadd.s32 $0x8F2B, s0  }
0xbd: {  	[sflag:s0] =	ssyncadd.remote.s32 $0x1  }
0xbe: {  	_ =	sfence.sel $0xFFFF  }
0xbf: {  	[dreg:$0x0] =	wrdreg $0xFFFFFFFF;
	(pc) =	sbr.abs _section_cstart, $3  }
0xc0: {  	[dreg:$0x1] =	wrdreg $0xFFFFFFFF  }
0xc1: {  	_ =	task.clear_ibuf [dreg:s7], $0x2FFFF;
	_ =	strace $0x9FFFFFFF  }
0xc2: {  	(tm) =	ssettm $0x7FFFFFFF  }
0xc3: {  	_ =	shalt  }
tec
execute0_lowered:
.L_overlay_start_1:
0x0: {  	(tag) =	ssettag $0x1  }
0x1: {  	s5 =	rddreg [dreg:$0x0]  }
0x2: {  	s2 =	rddreg [dreg:$0x1]  }
0x3: {  	s0 =	rddreg [dreg:$0x2];
	s4 =	srdreg.scid  }
0x4: {  	s1 =	stileid.u32;
	s3 =	simm.s32 $0x0;
	s9 =	simm.s32 $0x78  }
0x5: {  	s10 =	simm.s32 $0x8000;
	s11 =	simm.s32 $0xBC00;
	s12 =	simm.s32 $0x1  }
0x6: {  	s13 =	simm.s32 $0xF800;
	s14 =	simm.s32 $0x2;
	s15 =	simm.s32 $0x4  }
0x7: {  	s16 =	simm.s32 $0x10C00;
	s17 =	simm.s32 $0x3;
	s18 =	simm.s32 $0x0  }
0x8: {  	s4 =	sand.u32 $0x1, s4;
	s6 =	sshll.u32 s1, $0x1;
	[smem:$0x7FF] =	sst s3  }
0x9: {  	s6 =	sor.u32 s4, s6;
	_ =	strace $0x80000047;
	s8 =	ssub.s32 $0x2, s4  }
0xa: {  	s4 =	sadd.s32 $0x21000, s5;
	s7 =	sshll.u32 s6, $0xC;
	s31 =	sshrl.u32 s8, $0x1  }
0xb: {  	s7 =	sadd.s32 s7, s5;
	s8 =	ssub.s32 s8, s31;
	s5 =	smul.u32 $0x2710, s6  }
0xc: {  	s6 =	sadd.s32 $0x1000, s7;
	s7 =	smax.u32 s8, $0x1;
	s8 =	simm.s32 $0x5  }
.LBB2_1:
0xd: {  	[tilespmem:s3], [sflag:$0x5] =	stream.linear.gather [hbm4b:s6+s3], $0x7D00, $0x38;
	[tilespmem:$0x12000] =	vst v63  }
0xe: {  	_ =	swait.ge [sflag:s8], $0x7D00  }
0xf: {  	[sflag:s8] =	ssyncset.done $0x0  }
0x10: {  	s19 =	simm.s32 $0x0;
	[sflag:s8] =	ssyncadd.s32 $0xFFFF8300  }
0x11: {  	[tilespmem:s10], [sflag:$0x1] =	stream.indirect.gather [hbm4b:s4+s9], $0x80, s3, s9, $0xb8;
	[tilespmem:$0x12000] =	vst v63  }
.LBB2_2:
0x12: {  	s20 =	sshllo.u32 s19, $0x1  }
0x13: {  	s21 =	sshll.u32 s20, $0x7  }
0x14: {  	s21 =	sand.u32 $0x3FFFFF80, s21  }
0x15: {  	[tilespmem:s11], [sflag:$0x2] =	stream.indirect.gather [hbm4b:s4+s9], $0x80, s21, s9, $0xb8;
	[tilespmem:$0x12000] =	vst v63  }
0x16: {  	_ =	swait.ge [sflag:s12], $0x3C00  }
0x17: {  	p0 =	seq.s32 s19, $0x0;
	[sflag:s12] =	ssyncset.done $0x0  }
0x18: {  	s21 =	simm.s32 @!p0 $0x3;
	[sflag:s12] =	ssyncadd.s32 $0xFFFFC400  }
0x19: {  	_ =	swait.ge @!p0 [sflag:s21], $0x1400  }
0x1a: {  	[sflag:s21] =	ssyncset.done @!p0 $0x0  }
0x1b: {  	[sflag:s21] =	ssyncadd.s32 @!p0 $0xFFFFEC00;
	s21 =	simm.s32 $0x0  }
0x1c: {  	v0 =	vld [tilespmem:s21+$0x8070]  }
0x1d: {  	v1 =	vld [tilespmem:s21+$0x9470];
	_ =	sdelay $0x1  }
0x1e: {  	v2 =	vld [tilespmem:s21+$0xA870];
	_ =	sdelay $0x2  }
0x1f: {  	v0 =	vadd.f32 v1, v0;
	_ =	sdelay $0x1  }
0x20: {  	v3 =	vld [tilespmem:s21+$0x9400];
	v0 =	vadd.f32 v2, v0  }
0x21: {  	v4 =	vld [tilespmem:s21+$0x9410]  }
0x22: {  	v6 =	vld [tilespmem:s21+$0x8020];
	v5 =	vand.u32 $0x7FFFFFFF, v0  }
0x23: {  	v7 =	vld [tilespmem:s21+$0x9420];
	v5 =	vmul.f32 $-1.442695020e+00, v5  }
0x24: {  	v8 =	vld [tilespmem:s21+$0x8030]  }
0x25: {  	v9 =	vld [tilespmem:s21+$0x8040];
	(erf) = vpow2.f32 v5  }
0x26: {  	v10 =	vld [tilespmem:s21+$0x9440]  }
0x27: {  	v11 =	vld [tilespmem:s21+$0x8050]  }
0x28: {  	v12 =	vld [tilespmem:s21+$0x9450]  }
0x29: {  	v13 =	vld [tilespmem:s21+$0x8060]  }
0x2a: {  	v14 =	vld [tilespmem:s21+$0xA800]  }
0x2b: {  	v1 =	vld [tilespmem:s21+$0x8000]  }
0x2c: {  	v2 =	vld [tilespmem:s21+$0x8010]  }
0x2d: {  	v15 =	vld [tilespmem:s21+$0xA810]  }
0x2e: {  	v5 =	vld [tilespmem:s21+$0x9430];
	v17 =	vpop (erf)  }
0x2f: {  	v16 =	vld [tilespmem:s21+$0xA820];
	v18 =	vadd.f32 $1.000000000e+00, v17  }
0x30: {  	v1 =	vadd.f32 v3, v1;
	v3 =	vld [tilespmem:s21+$0x9460]  }
0x31: {  	v2 =	vadd.f32 v4, v2;
	v4 =	vld [tilespmem:s21+$0xA830];
	(erf) = vrcp.f32 v18  }
0x32: {  	v6 =	vadd.f32 v7, v6;
	v7 =	vld [tilespmem:s21+$0xA840];
	v1 =	vadd.f32 v14, v1  }
0x33: {  	v5 =	vadd.f32 v5, v8;
	v8 =	vadd.f32 v10, v9;
	v10 =	vld [tilespmem:s21+$0xA860]  }
0x34: {  	v2 =	vadd.f32 v15, v2;
	v14 =	vand.u32 $0x7FFFFFFF, v1;
	v15 =	vadd.f32 v16, v6  }
0x35: {  	s22 =	simm.s32 $0x80;
	v6 =	vadd.f32 v12, v11;
	v3 =	vadd.f32 v3, v13;
	v11 =	vmul.f32 $-1.442695020e+00, v14;
	v9 =	vld [tilespmem:s21+$0xA850]  }
0x36: {  	v13 =	vld [tilespmem:s22+$0x8070];
	v12 =	vand.u32 $0x7FFFFFFF, v2;
	v4 =	vadd.f32 v4, v5;
	v5 =	vand.u32 $0x7FFFFFFF, v15  }
0x37: {  	v8 =	vadd.f32 v7, v8;
	v7 =	vmul.f32 $-1.442695020e+00, v12;
	(erf) = vpow2.f32 v11;
	v11 =	vld [tilespmem:s22+$0x9470]  }
0x38: {  	v14 =	vld [tilespmem:s22+$0x8000];
	v5 =	vmul.f32 $-1.442695020e+00, v5;
	v12 =	vand.u32 $0x7FFFFFFF, v4;
	v10 =	vadd.f32 v10, v3  }
0x39: {  	v3 =	vld [tilespmem:s22+$0xA870];
	v16 =	vsub.f32 $1.000000000e+00, v17;
	(erf) = vpow2.f32 v7;
	v7 =	vmul.f32 $-1.442695020e+00, v12  }
0x3a: {  	v0 =	vand.u32 $0x80000000, v0;
	v9 =	vadd.f32 v9, v6;
	v17 =	vld [tilespmem:s22+$0x9400];
	(erf) = vpow2.f32 v5;
	v18 =	vpop (erf)  }
0x3b: {  	v19 =	vld [tilespmem:s22+$0x8010];
	v6 =	vand.u32 $0x7FFFFFFF, v8;
	(erf) = vpow2.f32 v7;
	v5 =	vmul.f32 v18, v16  }
0x3c: {  	v6 =	vmul.f32 $-1.442695020e+00, v6;
	v12 =	vand.u32 $0x7FFFFFFF, v9;
	v7 =	vadd.f32 v11, v13;
	v11 =	vld [tilespmem:s22+$0x8020]  }
0x3d: {  	v20 =	vand.u32 $0x7FFFFFFF, v10;
	v12 =	vmul.f32 $-1.442695020e+00, v12;
	v16 =	vld [tilespmem:s22+$0x9410];
	v0 =	vor.u32 v5, v0  }
0x3e: {  	(erf) = vpow2.f32 v6;
	v13 =	vmul.f32 $-1.442695020e+00, v20;
	v6 =	vadd.f32 v3, v7;
	v18 =	vld [tilespmem:s22+$0x9420];
	[tilespmem:s21+$0xF870] =	vst v0  }
0x3f: {  	v17 =	vadd.f32 v17, v14;
	(erf) = vpow2.f32 v12;
	v12 =	vld [tilespmem:s22+$0x8030]  }
0x40: {  	v7 =	vand.u32 $0x80000000, v2;
	(erf) = vpow2.f32 v13;
	v3 =	vand.u32 $0x7FFFFFFF, v6;
	v13 =	vld [tilespmem:s22+$0x9430];
	v0 =	vpop (erf)  }
0x41: {  	v5 =	vand.u32 $0x80000000, v1;
	v1 =	vand.u32 $0x80000000, v15;
	v15 =	vld [tilespmem:s22+$0x8040];
	v20 =	vadd.f32 $1.000000000e+00, v0  }
0x42: {  	v2 =	vmul.f32 $-1.442695020e+00, v3;
	v3 =	vand.u32 $0x80000000, v4;
	v4 =	vld [tilespmem:s22+$0x9440];
	v19 =	vadd.f32 v16, v19;
	v21 =	vpop (erf)  }
0x43: {  	v23 =	vld [tilespmem:s22+$0x8050];
	v14 =	vpop (erf);
	(erf) = vrcp.f32 v20;
	v20 =	vsub.f32 $1.000000000e+00, v0;
	v0 =	vand.u32 $0x80000000, v8  }
0x44: {  	v26 =	vld [tilespmem:s22+$0xA800];
	v8 =	vadd.f32 v18, v11;
	v11 =	vadd.f32 $1.000000000e+00, v14;
	v16 =	vpop (erf);
	(erf) = vpow2.f32 v2  }
0x45: {  	v28 =	vld [tilespmem:s22+$0xA810];
	v22 =	vadd.f32 $1.000000000e+00, v21;
	v2 =	vand.u32 $0x80000000, v9;
	v9 =	vadd.f32 $1.000000000e+00, v16  }
0x46: {  	v24 =	vsub.f32 $1.000000000e+00, v21;
	v21 =	vld [tilespmem:s22+$0x9450]  }
0x47: {  	v18 =	vld [tilespmem:s22+$0x8060];
	v34 =	vsub.f32 $1.000000000e+00, v14;
	v14 =	vpop (erf);
	v25 =	vadd.f32 v13, v12;
	(erf) = vrcp.f32 v22  }
0x48: {  	v12 =	vsub.f32 $1.000000000e+00, v16;
	v22 =	vld [tilespmem:s22+$0x9460];
	v13 =	vadd.f32 $1.000000000e+00, v14;
	(erf) = vrcp.f32 v11;
	v11 =	vpop (erf)  }
0x49: {  	v29 =	vld [tilespmem:s22+$0xA820];
	v15 =	vadd.f32 v4, v15;
	(erf) = vrcp.f32 v9;
	v27 =	vadd.f32 $1.000000000e+00, v11;
	v9 =	vpop (erf)  }
0x4a: {  	v19 =	vadd.f32 v28, v19;
	(erf) = vrcp.f32 v13;
	v4 =	vadd.f32 $1.000000000e+00, v9  }
0x4b: {  	v16 =	vsub.f32 $1.000000000e+00, v14;
	v14 =	vsub.f32 $1.000000000e+00, v11;
	v11 =	vld [tilespmem:s22+$0xA830];
	(erf) = vrcp.f32 v27  }
0x4c: {  	v13 =	vsub.f32 $1.000000000e+00, v9;
	v9 =	vld [tilespmem:s22+$0xA840];
	v27 =	vadd.f32 v21, v23;
	(erf) = vrcp.f32 v4;
	v21 =	vpop (erf)  }
0x4d: {  	v4 =	vand.u32 $0x80000000, v10;
	v10 =	vadd.f32 v22, v18;
	v18 =	vadd.f32 v26, v17;
	v22 =	vld [tilespmem:s22+$0xA850];
	v23 =	vpop (erf)  }
0x4e: {  	v26 =	vld [tilespmem:s22+$0xA860];
	v17 =	vadd.f32 v29, v8;
	v8 =	vand.u32 $0x7FFFFFFF, v19;
	v28 =	vadd.f32 $1.000000000e+00, v23  }
0x4f: {  	v29 =	vmul.f32 $-1.442695020e+00, v8;
	v21 =	vmul.f32 v21, v20;
	v30 =	vand.u32 $0x7FFFFFFF, v18  }
0x50: {  	v11 =	vadd.f32 v11, v25;
	v20 =	vpop (erf);
	v36 =	vmul.f32 $-1.442695020e+00, v30;
	(erf) = vrcp.f32 v28  }
0x51: {  	v9 =	vadd.f32 v9, v15;
	v20 =	vmul.f32 v20, v24;
	v35 =	vpop (erf);
	v24 =	vand.u32 $0x7FFFFFFF, v17  }
0x52: {  	v15 =	vand.u32 $0x7FFFFFFF, v11;
	v25 =	vpop (erf);
	v8 =	vadd.f32 v22, v27;
	v30 =	vmul.f32 $-1.442695020e+00, v24  }
0x53: {  	v22 =	vand.u32 $0x7FFFFFFF, v9;
	v10 =	vadd.f32 v26, v10;
	v31 =	vmul.f32 $-1.442695020e+00, v15;
	v27 =	vpop (erf)  }
0x54: {  	s23 =	simm.s32 $0x100;
	v15 =	vmul.f32 v35, v34;
	v28 =	vmul.f32 $-1.442695020e+00, v22;
	v26 =	vpop (erf)  }
0x55: {  	s24 =	simm.s32 $0x600;
	v22 =	vld [tilespmem:s23+$0x8070];
	(erf) = vpow2.f32 v36;
	v33 =	vand.u32 $0x7FFFFFFF, v8;
	v32 =	vand.u32 $0x7FFFFFFF, v10;
	v24 =	vpop (erf)  }
.LBB2_3:
0x56: {  	p1 =	sne.s32 s24, $0x4E00;
	v34 =	vld [tilespmem:s23+$0x9470];
	v18 =	vand.u32 $0x80000000, v18;
	v33 =	vmul.f32 $-1.442695020e+00, v33;
	v32 =	vmul.f32 $-1.442695020e+00, v32  }
0x57: {  	v19 =	vand.u32 $0x80000000, v19;
	v25 =	vmul.f32 v25, v12;
	v35 =	vld [tilespmem:s23+$0x8000];
	(erf) = vpow2.f32 v29  }
0x58: {  	v23 =	vsub.f32 $1.000000000e+00, v23;
	v27 =	vmul.f32 v27, v16;
	v12 =	vld [tilespmem:s23+$0xA870];
	(erf) = vpow2.f32 v30  }
0x59: {  	v17 =	vand.u32 $0x80000000, v17;
	v26 =	vmul.f32 v26, v14;
	v16 =	vld [tilespmem:s23+$0x9400];
	(erf) = vpow2.f32 v31;
	v29 =	vpop (erf)  }
0x5a: {  	v11 =	vand.u32 $0x80000000, v11;
	v14 =	vld [tilespmem:s23+$0x8010];
	v23 =	vmul.f32 v29, v23;
	(erf) = vpow2.f32 v28  }
0x5b: {  	v6 =	vand.u32 $0x80000000, v6;
	v28 =	vld [tilespmem:s23+$0x9410];
	v22 =	vadd.f32 v34, v22;
	(erf) = vpow2.f32 v33  }
0x5c: {  	v24 =	vmul.f32 v24, v13;
	v29 =	vld [tilespmem:s23+$0x8020];
	v23 =	vor.u32 v23, v6;
	(erf) = vpow2.f32 v32  }
0x5d: {  	v9 =	vand.u32 $0x80000000, v9;
	v13 =	vld [tilespmem:s23+$0x9420];
	v6 =	vadd.f32 v12, v22;
	v22 =	vand.u32 $0x80000000, v8;
	[tilespmem:s22+$0xF870] =	vst v23  }
0x5e: {  	v32 =	vand.u32 $0x80000000, v10;
	v23 =	vor.u32 v21, v5;
	v8 =	vadd.f32 v16, v35;
	v12 =	vld [tilespmem:s23+$0x8030];
	v10 =	vpop (erf)  }
0x5f: {  	v5 =	vmovc v18;
	v16 =	vld [tilespmem:s23+$0x9430];
	v31 =	vand.u32 $0x7FFFFFFF, v6;
	v30 =	vsub.f32 $1.000000000e+00, v10;
	v33 =	vadd.f32 $1.000000000e+00, v10;
	[tilespmem:s21+$0xF800] =	vst v23  }
0x60: {  	v7 =	vor.u32 v20, v7;
	v28 =	vadd.f32 v28, v14;
	v14 =	vld [tilespmem:s23+$0x8040];
	v23 =	vmul.f32 $-1.442695020e+00, v31;
	v21 =	vpop (erf)  }
0x61: {  	v20 =	vld [tilespmem:s23+$0x9440];
	v31 =	vsub.f32 $1.000000000e+00, v21;
	v35 =	vadd.f32 $1.000000000e+00, v21;
	(erf) = vrcp.f32 v33;
	v10 =	vpop (erf);
	[tilespmem:s21+$0xF810] =	vst v7  }
0x62: {  	v29 =	vadd.f32 v13, v29;
	v13 =	vld [tilespmem:s23+$0x8050];
	(erf) = vpow2.f32 v23;
	v7 =	vadd.f32 $1.000000000e+00, v10;
	v18 =	vpop (erf)  }
0x63: {  	v34 =	vsub.f32 $1.000000000e+00, v10;
	v23 =	vld [tilespmem:s23+$0x9450];
	v38 =	vadd.f32 $1.000000000e+00, v18;
	(erf) = vrcp.f32 v35;
	v21 =	vpop (erf)  }
0x64: {  	v33 =	vadd.f32 v16, v12;
	v35 =	vld [tilespmem:s23+$0x8060];
	v16 =	vadd.f32 $1.000000000e+00, v21;
	(erf) = vrcp.f32 v7;
	v36 =	vpop (erf)  }
0x65: {  	v12 =	vsub.f32 $1.000000000e+00, v18;
	v37 =	vld [tilespmem:s23+$0x9460];
	v18 =	vadd.f32 $1.000000000e+00, v36;
	(erf) = vrcp.f32 v38;
	v10 =	vpop (erf)  }
0x66: {  	v38 =	vld [tilespmem:s23+$0xA800];
	v39 =	vadd.f32 v20, v14;
	v20 =	vadd.f32 $1.000000000e+00, v10;
	(erf) = vrcp.f32 v16;
	v7 =	vmovc v19  }
0x67: {  	v16 =	vsub.f32 $1.000000000e+00, v21;
	v14 =	vsub.f32 $1.000000000e+00, v36;
	v19 =	vld [tilespmem:s23+$0xA810];
	(erf) = vrcp.f32 v18  }
0x68: {  	v36 =	vld [tilespmem:s23+$0xA820];
	v40 =	vadd.f32 v23, v13;
	v13 =	vsub.f32 $1.000000000e+00, v10;
	(erf) = vrcp.f32 v20  }
0x69: {  	v15 =	vor.u32 v15, v1;
	v1 =	vmovc v17;
	v0 =	vor.u32 v27, v0;
	v20 =	vor.u32 v25, v3;
	v10 =	vld [tilespmem:s23+$0xA830]  }
0x6a: {  	v2 =	vor.u32 v26, v2;
	v4 =	vor.u32 v24, v4;
	v27 =	vld [tilespmem:s23+$0xA840];
	v35 =	vadd.f32 v37, v35;
	v17 =	vpop (erf);
	[tilespmem:s21+$0xF820] =	vst v15  }
0x6b: {  	v3 =	vmov v11;
	v18 =	vadd.f32 v38, v8;
	v8 =	vld [tilespmem:s23+$0xA850];
	v23 =	vpop (erf);
	v21 =	vmul.f32 v17, v30;
	[tilespmem:s21+$0xF830] =	vst v20  }
0x6c: {  	v19 =	vadd.f32 v19, v28;
	v15 =	vld [tilespmem:s23+$0xA860];
	v24 =	vadd.f32 $1.000000000e+00, v23;
	v11 =	vpop (erf);
	[tilespmem:s21+$0xF840] =	vst v0;
	v0 =	vmov v9  }
0x6d: {  	v9 =	vand.u32 $0x7FFFFFFF, v18;
	v17 =	vadd.f32 v36, v29;
	v20 =	vmul.f32 v11, v31;
	v36 =	vpop (erf);
	[tilespmem:s21+$0xF850] =	vst v2  }
0x6e: {  	v2 =	vand.u32 $0x7FFFFFFF, v19;
	v11 =	vadd.f32 v10, v33;
	(erf) = vrcp.f32 v24;
	v25 =	vpop (erf);
	[tilespmem:s21+$0xF860] =	vst v4;
	s21 =	smov.u32 s22;
	s22 =	smov.u32 s23  }
.Ltmp0:
0x6f: {  	v37 =	vmul.f32 $-1.442695020e+00, v9;
	v4 =	vand.u32 $0x7FFFFFFF, v17;
	v9 =	vadd.f32 v27, v39;
	v27 =	vpop (erf);
	(pc) =	sbr.rel @p1 .LBB2_3-.Ltmp0, $4  }
0x70: {  	v29 =	vmul.f32 $-1.442695020e+00, v2;
	v38 =	vand.u32 $0x7FFFFFFF, v11;
	v8 =	vadd.f32 v8, v40;
	v26 =	vpop (erf)  }
0x71: {  	v30 =	vmul.f32 $-1.442695020e+00, v4;
	v39 =	vand.u32 $0x7FFFFFFF, v9;
	v10 =	vadd.f32 v15, v35;
	v24 =	vpop (erf)  }
0x72: {  	s23 =	sshra.s32 s24, $0x2;
	v31 =	vmul.f32 $-1.442695020e+00, v38;
	v2 =	vmovc v22;
	v28 =	vmul.f32 $-1.442695020e+00, v39;
	v33 =	vand.u32 $0x7FFFFFFF, v8;
	v4 =	vmovc v32  }
0x73: {  	s24 =	sadd.s32 $0x200, s24;
	v15 =	vmul.f32 v36, v34;
	v22 =	vld [tilespmem:s23+$0x8070];
	v32 =	vand.u32 $0x7FFFFFFF, v10;
	(erf) = vpow2.f32 v37  }
0x74: {  	v34 =	vld [tilespmem:s23+$0x9470]  }
0x75: {  	v35 =	vld [tilespmem:s23+$0x8000]  }
0x76: {  	v36 =	vld [tilespmem:s23+$0xA870];
	v23 =	vsub.f32 $1.000000000e+00, v23  }
0x77: {  	v37 =	vld [tilespmem:s23+$0x9400];
	v38 =	vpop (erf)  }
0x78: {  	v39 =	vld [tilespmem:s23+$0x8010];
	v23 =	vmul.f32 v38, v23  }
0x79: {  	v63 =	vld [tilespmem:s23+$0x9410];
	v6 =	vand.u32 $0x80000000, v6  }
0x7a: {  	v40 =	vld [tilespmem:s23+$0x8020];
	(erf) = vpow2.f32 v29;
	v6 =	vor.u32 v23, v6  }
0x7b: {  	v43 =	vld [tilespmem:s23+$0x9420];
	(erf) = vpow2.f32 v30;
	[tilespmem:s22+$0xF870] =	vst v6  }
0x7c: {  	v44 =	vmul.f32 $-1.442695020e+00, v33;
	v21 =	vor.u32 v21, v5;
	(erf) = vpow2.f32 v31;
	v45 =	vld [tilespmem:s23+$0x8030]  }
0x7d: {  	v47 =	vmul.f32 $-1.442695020e+00, v32;
	(erf) = vpow2.f32 v28;
	v22 =	vadd.f32 v34, v22;
	v46 =	vld [tilespmem:s23+$0x9430];
	[tilespmem:s21+$0xF800] =	vst v21  }
0x7e: {  	v7 =	vor.u32 v20, v7;
	(erf) = vpow2.f32 v44;
	v48 =	vld [tilespmem:s23+$0x8040]  }
0x7f: {  	(erf) = vpow2.f32 v47;
	v5 =	vadd.f32 v36, v22;
	v51 =	vld [tilespmem:s23+$0x9440];
	[tilespmem:s21+$0xF810] =	vst v7  }
0x80: {  	v12 =	vmul.f32 v25, v12;
	v21 =	vpop (erf);
	v7 =	vld [tilespmem:s23+$0x8050]  }
0x81: {  	v16 =	vmul.f32 v27, v16;
	v49 =	vand.u32 $0x7FFFFFFF, v5;
	v50 =	vadd.f32 $1.000000000e+00, v21;
	v53 =	vld [tilespmem:s23+$0x9450]  }
0x82: {  	v14 =	vmul.f32 v26, v14;
	v52 =	vmul.f32 $-1.442695020e+00, v49;
	v55 =	vld [tilespmem:s23+$0x8060]  }
0x83: {  	v13 =	vmul.f32 v24, v13;
	v30 =	vpop (erf);
	v60 =	vld [tilespmem:s23+$0xA800];
	(erf) = vrcp.f32 v50  }
0x84: {  	v58 =	vadd.f32 v37, v35;
	v61 =	vadd.f32 v63, v39;
	v27 =	vpop (erf);
	v63 =	vld [tilespmem:s23+$0xA810];
	(erf) = vpow2.f32 v52  }
0x85: {  	v18 =	vand.u32 $0x80000000, v18;
	v23 =	vadd.f32 v43, v40;
	v54 =	vadd.f32 $1.000000000e+00, v30;
	v43 =	vld [tilespmem:s23+$0xA820];
	v26 =	vpop (erf)  }
0x86: {  	v1 =	vor.u32 v15, v1;
	v44 =	vld [tilespmem:s23+$0xA830];
	v56 =	vadd.f32 $1.000000000e+00, v27;
	v59 =	vadd.f32 $1.000000000e+00, v26;
	v25 =	vpop (erf)  }
0x87: {  	v3 =	vor.u32 v12, v3;
	v57 =	vld [tilespmem:s23+$0x9460];
	v62 =	vadd.f32 $1.000000000e+00, v25;
	v24 =	vpop (erf);
	v28 =	vadd.f32 v46, v45  }
0x88: {  	(erf) = vrcp.f32 v54;
	v42 =	vadd.f32 $1.000000000e+00, v24;
	v20 =	vadd.f32 v51, v48;
	v45 =	vpop (erf)  }
0x89: {  	v46 =	vld [tilespmem:s23+$0xA840];
	[tilespmem:s21+$0xF820] =	vst v1;
	(erf) = vrcp.f32 v56;
	v6 =	vadd.f32 v53, v7;
	v47 =	vadd.f32 $1.000000000e+00, v45  }
0x8a: {  	v49 =	vld [tilespmem:s23+$0xA850];
	[tilespmem:s21+$0xF830] =	vst v3;
	(erf) = vrcp.f32 v59;
	v12 =	vadd.f32 v60, v58;
	v3 =	vadd.f32 v63, v61  }
0x8b: {  	v23 =	vadd.f32 v43, v23;
	v22 =	vadd.f32 v44, v28;
	(erf) = vrcp.f32 v62  }
0x8c: {  	v31 =	vadd.f32 v57, v55;
	v51 =	vld [tilespmem:s23+$0xA860];
	(erf) = vrcp.f32 v42;
	v52 =	vand.u32 $0x7FFFFFFF, v12;
	v48 =	vpop (erf)  }
0x8d: {  	v53 =	vand.u32 $0x7FFFFFFF, v3;
	v55 =	vand.u32 $0x7FFFFFFF, v23;
	v57 =	vand.u32 $0x7FFFFFFF, v22;
	v35 =	vpop (erf)  }
0x8e: {  	(erf) = vrcp.f32 v47;
	v54 =	vmul.f32 $-1.442695020e+00, v52;
	v50 =	vadd.f32 $1.000000000e+00, v35  }
0x8f: {  	v15 =	vadd.f32 v46, v20;
	v56 =	vmul.f32 $-1.442695020e+00, v53;
	v28 =	vmul.f32 $-1.442695020e+00, v55  }
0x90: {  	v59 =	vmul.f32 $-1.442695020e+00, v57;
	v6 =	vadd.f32 v49, v6;
	(erf) = vrcp.f32 v50  }
0x91: {  	v58 =	vand.u32 $0x7FFFFFFF, v15;
	v7 =	vadd.f32 v51, v31;
	(erf) = vpow2.f32 v54  }
0x92: {  	v61 =	vmul.f32 $-1.442695020e+00, v58;
	v62 =	vand.u32 $0x7FFFFFFF, v6;
	(erf) = vpow2.f32 v56  }
0x93: {  	v60 =	vpop (erf);
	v40 =	vand.u32 $0x7FFFFFFF, v7;
	v33 =	vmul.f32 $-1.442695020e+00, v62;
	(erf) = vpow2.f32 v28  }
0x94: {  	v19 =	vand.u32 $0x80000000, v19;
	v63 =	vpop (erf);
	v34 =	vmul.f32 $-1.442695020e+00, v40;
	(erf) = vpow2.f32 v59  }
0x95: {  	v17 =	vand.u32 $0x80000000, v17;
	v11 =	vand.u32 $0x80000000, v11;
	v41 =	vpop (erf);
	(erf) = vpow2.f32 v61  }
0x96: {  	v9 =	vand.u32 $0x80000000, v9;
	v8 =	vand.u32 $0x80000000, v8;
	v42 =	vpop (erf);
	(erf) = vpow2.f32 v33  }
0x97: {  	v10 =	vand.u32 $0x80000000, v10;
	v21 =	vsub.f32 $1.000000000e+00, v21;
	v43 =	vpop (erf);
	(erf) = vpow2.f32 v34  }
0x98: {  	v0 =	vor.u32 v16, v0;
	v30 =	vsub.f32 $1.000000000e+00, v30;
	v27 =	vsub.f32 $1.000000000e+00, v27;
	v34 =	vpop (erf)  }
0x99: {  	v2 =	vor.u32 v14, v2;
	v26 =	vsub.f32 $1.000000000e+00, v26;
	v25 =	vsub.f32 $1.000000000e+00, v25;
	v44 =	vpop (erf)  }
0x9a: {  	v4 =	vor.u32 v13, v4;
	v24 =	vsub.f32 $1.000000000e+00, v24;
	v29 =	vsub.f32 $1.000000000e+00, v45;
	v45 =	vpop (erf)  }
0x9b: {  	v12 =	vand.u32 $0x80000000, v12;
	v1 =	vmul.f32 v48, v21;
	v47 =	vadd.f32 $1.000000000e+00, v45;
	v48 =	vpop (erf)  }
0x9c: {  	v3 =	vand.u32 $0x80000000, v3;
	v52 =	vsub.f32 $1.000000000e+00, v35;
	v50 =	vadd.f32 $1.000000000e+00, v48;
	v51 =	vpop (erf)  }
0x9d: {  	v46 =	vmul.f32 v60, v30;
	(erf) = vrcp.f32 v47;
	v53 =	vadd.f32 $1.000000000e+00, v51;
	v54 =	vpop (erf)  }
0x9e: {  	v60 =	vand.u32 $0x80000000, v5;
	v55 =	vadd.f32 $1.000000000e+00, v54;
	(erf) = vrcp.f32 v50;
	v56 =	vpop (erf)  }
0x9f: {  	[tilespmem:s21+$0xF840] =	vst v0;
	v57 =	vmul.f32 v44, v52;
	v58 =	vadd.f32 $1.000000000e+00, v56;
	(erf) = vrcp.f32 v53;
	v59 =	vpop (erf)  }
0xa0: {  	[tilespmem:s21+$0xF850] =	vst v2;
	v49 =	vmul.f32 v63, v27;
	v61 =	vadd.f32 $1.000000000e+00, v59;
	(erf) = vrcp.f32 v55;
	v62 =	vpop (erf)  }
0xa1: {  	[tilespmem:s21+$0xF860] =	vst v4;
	v0 =	vor.u32 v57, v60;
	v63 =	vadd.f32 $1.000000000e+00, v62;
	(erf) = vrcp.f32 v58  }
0xa2: {  	v37 =	vor.u32 v1, v18;
	v40 =	vand.u32 $0x80000000, v23;
	[tilespmem:s23+$0xF870] =	vst v0;
	(erf) = vrcp.f32 v61  }
0xa3: {  	v31 =	vmul.f32 v41, v26;
	v39 =	vor.u32 v46, v19;
	[tilespmem:s22+$0xF800] =	vst v37;
	(erf) = vrcp.f32 v63  }
0xa4: {  	v38 =	vmul.f32 v42, v25;
	v42 =	vor.u32 v49, v17;
	v41 =	vmul.f32 v43, v24;
	[tilespmem:s22+$0xF810] =	vst v39  }
0xa5: {  	v43 =	vand.u32 $0x80000000, v22;
	v4 =	vor.u32 v31, v11;
	v13 =	vsub.f32 $1.000000000e+00, v45;
	[tilespmem:s22+$0xF820] =	vst v42  }
0xa6: {  	v1 =	vor.u32 v38, v9;
	v44 =	vmul.f32 v34, v29;
	v45 =	vsub.f32 $1.000000000e+00, v48;
	[tilespmem:s22+$0xF830] =	vst v4;
	v46 =	vpop (erf)  }
0xa7: {  	v5 =	vor.u32 v41, v8;
	v47 =	vsub.f32 $1.000000000e+00, v51;
	[tilespmem:s22+$0xF840] =	vst v1;
	v48 =	vmul.f32 v46, v13;
	v49 =	vpop (erf)  }
0xa8: {  	v0 =	vor.u32 v44, v10;
	v50 =	vsub.f32 $1.000000000e+00, v54;
	[tilespmem:s22+$0xF850] =	vst v5;
	v9 =	vmul.f32 v49, v45;
	v51 =	vpop (erf)  }
0xa9: {  	[tilespmem:s22+$0xF860] =	vst v0;
	v52 =	vsub.f32 $1.000000000e+00, v56;
	v53 =	vpop (erf);
	v54 =	vmul.f32 v51, v47;
	v55 =	vor.u32 v48, v12  }
0xaa: {  	v56 =	vsub.f32 $1.000000000e+00, v59;
	v57 =	vpop (erf);
	v1 =	vmul.f32 v53, v50;
	[tilespmem:s23+$0xF800] =	vst v55;
	v3 =	vor.u32 v9, v3  }
0xab: {  	v58 =	vsub.f32 $1.000000000e+00, v62;
	v59 =	vpop (erf);
	v5 =	vmul.f32 v57, v52;
	[tilespmem:s23+$0xF810] =	vst v3;
	v0 =	vor.u32 v54, v40  }
0xac: {  	s31 =	smul.u32 $0x50, s19;
	p1 =	sne.s32 s19, $0x7C;
	v60 =	vand.u32 $0x80000000, v15;
	v61 =	vpop (erf);
	v8 =	vmul.f32 v59, v56;
	v1 =	vor.u32 v1, v43;
	[tilespmem:s23+$0xF820] =	vst v0  }
.Ltmp1:
0xad: {  	v62 =	vand.u32 $0x80000000, v6;
	v3 =	vmul.f32 v61, v58;
	v2 =	vor.u32 v5, v60;
	[tilespmem:s23+$0xF830] =	vst v1;
	(pc) =	sbr.rel @p1 .LBB2_6-.Ltmp1, $4  }
0xae: {  	s21 =	sadd.s32 s5, s31;
	v63 =	vand.u32 $0x80000000, v7;
	v0 =	vor.u32 v8, v62;
	[tilespmem:s23+$0xF840] =	vst v2  }
0xaf: {  	s21 =	sshll.u32 s21, $0x4;
	v1 =	vor.u32 v3, v63;
	[tilespmem:s23+$0xF850] =	vst v0  }
0xb0: {  	s21 =	sadd.s32 s2, s21;
	[tilespmem:s23+$0xF860] =	vst v1  }
0xb1: {  	[hbm4b:s21+s3] =	stream.linear.scatter [tilespmem:s13], [sflag:$0x3], $0x1400, $0x38;
	[tilespmem:$0x12000] =	vst v63  }
.Ltmp2:
0xb2: {  	(pc) =	sbr.rel .LBB2_7-.Ltmp2, $4  }
0xb3: {  	_ = 	snop  }
0xb4: {  	_ =	swait.ge [sflag:s14], $0x3C00  }
0xb5: {  	[sflag:s14] =	ssyncset.done $0x0  }
0xb6: {  	[sflag:s14] =	ssyncadd.s32 $0xFFFFC400  }
.LBB2_6:
0xb7: {  	s21 =	sshll.u32 s19, $0x8  }
0xb8: {  	s21 =	sand.u32 $0x3FFFFF00, s21  }
.Ltmp3:
0xb9: {  	s21 =	sadd.s32 $0x100, s21;
	(pc) =	sbr.rel @p0 .LBB2_8-.Ltmp3, $4  }
0xba: {  	[tilespmem:s10], [sflag:$0x1] =	stream.indirect.gather [hbm4b:s4+s9], $0x80, s21, s9, $0xb8;
	[tilespmem:$0x12000] =	vst v63  }
0xbb: {  	_ =	swait.ge [sflag:s14], $0x3C00  }
0xbc: {  	[sflag:s14] =	ssyncset.done $0x0  }
0xbd: {  	[sflag:s14] =	ssyncadd.s32 $0xFFFFC400  }
.LBB2_7:
0xbe: {  	_ =	swait.ge [sflag:s15], $0x1400  }
0xbf: {  	[sflag:s15] =	ssyncset.done $0x0  }
0xc0: {  	[sflag:s15] =	ssyncadd.s32 $0xFFFFEC00  }
.LBB2_8:
0xc1: {  	s21 =	simm.s32 $0x0  }
0xc2: {  	v0 =	vld [tilespmem:s21+$0xBC70]  }
0xc3: {  	v1 =	vld [tilespmem:s21+$0xD070];
	_ =	sdelay $0x1  }
0xc4: {  	v2 =	vld [tilespmem:s21+$0xE470];
	_ =	sdelay $0x2  }
0xc5: {  	v0 =	vadd.f32 v1, v0;
	_ =	sdelay $0x1  }
0xc6: {  	v3 =	vld [tilespmem:s21+$0xD000];
	v0 =	vadd.f32 v2, v0  }
0xc7: {  	v4 =	vld [tilespmem:s21+$0xD010]  }
0xc8: {  	v6 =	vld [tilespmem:s21+$0xBC20];
	v5 =	vand.u32 $0x7FFFFFFF, v0  }
0xc9: {  	v7 =	vld [tilespmem:s21+$0xD020];
	v5 =	vmul.f32 $-1.442695020e+00, v5  }
0xca: {  	v8 =	vld [tilespmem:s21+$0xBC30]  }
0xcb: {  	v9 =	vld [tilespmem:s21+$0xBC40];
	(erf) = vpow2.f32 v5  }
0xcc: {  	v10 =	vld [tilespmem:s21+$0xD040]  }
0xcd: {  	v11 =	vld [tilespmem:s21+$0xBC50]  }
0xce: {  	v12 =	vld [tilespmem:s21+$0xD050]  }
0xcf: {  	v13 =	vld [tilespmem:s21+$0xBC60]  }
0xd0: {  	v14 =	vld [tilespmem:s21+$0xE400]  }
0xd1: {  	v1 =	vld [tilespmem:s21+$0xBC00]  }
0xd2: {  	v2 =	vld [tilespmem:s21+$0xBC10]  }
0xd3: {  	v15 =	vld [tilespmem:s21+$0xE410]  }
0xd4: {  	v5 =	vld [tilespmem:s21+$0xD030];
	v17 =	vpop (erf)  }
0xd5: {  	v16 =	vld [tilespmem:s21+$0xE420];
	v18 =	vadd.f32 $1.000000000e+00, v17  }
0xd6: {  	v1 =	vadd.f32 v3, v1;
	v3 =	vld [tilespmem:s21+$0xD060]  }
0xd7: {  	v2 =	vadd.f32 v4, v2;
	v4 =	vld [tilespmem:s21+$0xE430];
	(erf) = vrcp.f32 v18  }
0xd8: {  	v6 =	vadd.f32 v7, v6;
	v7 =	vld [tilespmem:s21+$0xE440];
	v1 =	vadd.f32 v14, v1  }
0xd9: {  	v5 =	vadd.f32 v5, v8;
	v8 =	vadd.f32 v10, v9;
	v10 =	vld [tilespmem:s21+$0xE460]  }
0xda: {  	v2 =	vadd.f32 v15, v2;
	v14 =	vand.u32 $0x7FFFFFFF, v1;
	v15 =	vadd.f32 v16, v6  }
0xdb: {  	s22 =	simm.s32 $0x80;
	v6 =	vadd.f32 v12, v11;
	v3 =	vadd.f32 v3, v13;
	v11 =	vmul.f32 $-1.442695020e+00, v14;
	v9 =	vld [tilespmem:s21+$0xE450]  }
0xdc: {  	v13 =	vld [tilespmem:s22+$0xBC70];
	v12 =	vand.u32 $0x7FFFFFFF, v2;
	v4 =	vadd.f32 v4, v5;
	v5 =	vand.u32 $0x7FFFFFFF, v15  }
0xdd: {  	v8 =	vadd.f32 v7, v8;
	v7 =	vmul.f32 $-1.442695020e+00, v12;
	(erf) = vpow2.f32 v11;
	v11 =	vld [tilespmem:s22+$0xD070]  }
0xde: {  	v14 =	vld [tilespmem:s22+$0xBC00];
	v5 =	vmul.f32 $-1.442695020e+00, v5;
	v12 =	vand.u32 $0x7FFFFFFF, v4;
	v10 =	vadd.f32 v10, v3  }
0xdf: {  	v3 =	vld [tilespmem:s22+$0xE470];
	v16 =	vsub.f32 $1.000000000e+00, v17;
	(erf) = vpow2.f32 v7;
	v7 =	vmul.f32 $-1.442695020e+00, v12  }
0xe0: {  	v0 =	vand.u32 $0x80000000, v0;
	v9 =	vadd.f32 v9, v6;
	v17 =	vld [tilespmem:s22+$0xD000];
	(erf) = vpow2.f32 v5;
	v18 =	vpop (erf)  }
0xe1: {  	v19 =	vld [tilespmem:s22+$0xBC10];
	v6 =	vand.u32 $0x7FFFFFFF, v8;
	(erf) = vpow2.f32 v7;
	v5 =	vmul.f32 v18, v16  }
0xe2: {  	v6 =	vmul.f32 $-1.442695020e+00, v6;
	v12 =	vand.u32 $0x7FFFFFFF, v9;
	v7 =	vadd.f32 v11, v13;
	v11 =	vld [tilespmem:s22+$0xBC20]  }
0xe3: {  	v20 =	vand.u32 $0x7FFFFFFF, v10;
	v12 =	vmul.f32 $-1.442695020e+00, v12;
	v16 =	vld [tilespmem:s22+$0xD010];
	v0 =	vor.u32 v5, v0  }
0xe4: {  	(erf) = vpow2.f32 v6;
	v13 =	vmul.f32 $-1.442695020e+00, v20;
	v6 =	vadd.f32 v3, v7;
	v18 =	vld [tilespmem:s22+$0xD020];
	[tilespmem:s21+$0x10C70] =	vst v0  }
0xe5: {  	v17 =	vadd.f32 v17, v14;
	(erf) = vpow2.f32 v12;
	v12 =	vld [tilespmem:s22+$0xBC30]  }
0xe6: {  	v7 =	vand.u32 $0x80000000, v2;
	(erf) = vpow2.f32 v13;
	v3 =	vand.u32 $0x7FFFFFFF, v6;
	v13 =	vld [tilespmem:s22+$0xD030];
	v0 =	vpop (erf)  }
0xe7: {  	v5 =	vand.u32 $0x80000000, v1;
	v1 =	vand.u32 $0x80000000, v15;
	v15 =	vld [tilespmem:s22+$0xBC40];
	v20 =	vadd.f32 $1.000000000e+00, v0  }
0xe8: {  	v2 =	vmul.f32 $-1.442695020e+00, v3;
	v3 =	vand.u32 $0x80000000, v4;
	v4 =	vld [tilespmem:s22+$0xD040];
	v19 =	vadd.f32 v16, v19;
	v21 =	vpop (erf)  }
0xe9: {  	v23 =	vld [tilespmem:s22+$0xBC50];
	v14 =	vpop (erf);
	(erf) = vrcp.f32 v20;
	v20 =	vsub.f32 $1.000000000e+00, v0;
	v0 =	vand.u32 $0x80000000, v8  }
0xea: {  	v26 =	vld [tilespmem:s22+$0xE400];
	v8 =	vadd.f32 v18, v11;
	v11 =	vadd.f32 $1.000000000e+00, v14;
	v16 =	vpop (erf);
	(erf) = vpow2.f32 v2  }
0xeb: {  	v28 =	vld [tilespmem:s22+$0xE410];
	v22 =	vadd.f32 $1.000000000e+00, v21;
	v2 =	vand.u32 $0x80000000, v9;
	v9 =	vadd.f32 $1.000000000e+00, v16  }
0xec: {  	v24 =	vsub.f32 $1.000000000e+00, v21;
	v21 =	vld [tilespmem:s22+$0xD050]  }
0xed: {  	v18 =	vld [tilespmem:s22+$0xBC60];
	v34 =	vsub.f32 $1.000000000e+00, v14;
	v14 =	vpop (erf);
	v25 =	vadd.f32 v13, v12;
	(erf) = vrcp.f32 v22  }
0xee: {  	v12 =	vsub.f32 $1.000000000e+00, v16;
	v22 =	vld [tilespmem:s22+$0xD060];
	v13 =	vadd.f32 $1.000000000e+00, v14;
	(erf) = vrcp.f32 v11;
	v11 =	vpop (erf)  }
0xef: {  	v29 =	vld [tilespmem:s22+$0xE420];
	v15 =	vadd.f32 v4, v15;
	(erf) = vrcp.f32 v9;
	v27 =	vadd.f32 $1.000000000e+00, v11;
	v9 =	vpop (erf)  }
0xf0: {  	v19 =	vadd.f32 v28, v19;
	(erf) = vrcp.f32 v13;
	v4 =	vadd.f32 $1.000000000e+00, v9  }
0xf1: {  	v16 =	vsub.f32 $1.000000000e+00, v14;
	v14 =	vsub.f32 $1.000000000e+00, v11;
	v11 =	vld [tilespmem:s22+$0xE430];
	(erf) = vrcp.f32 v27  }
0xf2: {  	v13 =	vsub.f32 $1.000000000e+00, v9;
	v9 =	vld [tilespmem:s22+$0xE440];
	v27 =	vadd.f32 v21, v23;
	(erf) = vrcp.f32 v4;
	v21 =	vpop (erf)  }
0xf3: {  	v4 =	vand.u32 $0x80000000, v10;
	v10 =	vadd.f32 v22, v18;
	v18 =	vadd.f32 v26, v17;
	v22 =	vld [tilespmem:s22+$0xE450];
	v23 =	vpop (erf)  }
0xf4: {  	v26 =	vld [tilespmem:s22+$0xE460];
	v17 =	vadd.f32 v29, v8;
	v8 =	vand.u32 $0x7FFFFFFF, v19;
	v28 =	vadd.f32 $1.000000000e+00, v23  }
0xf5: {  	v29 =	vmul.f32 $-1.442695020e+00, v8;
	v21 =	vmul.f32 v21, v20;
	v30 =	vand.u32 $0x7FFFFFFF, v18  }
0xf6: {  	v11 =	vadd.f32 v11, v25;
	v20 =	vpop (erf);
	v36 =	vmul.f32 $-1.442695020e+00, v30;
	(erf) = vrcp.f32 v28  }
0xf7: {  	v9 =	vadd.f32 v9, v15;
	v20 =	vmul.f32 v20, v24;
	v35 =	vpop (erf);
	v24 =	vand.u32 $0x7FFFFFFF, v17  }
0xf8: {  	v15 =	vand.u32 $0x7FFFFFFF, v11;
	v25 =	vpop (erf);
	v8 =	vadd.f32 v22, v27;
	v30 =	vmul.f32 $-1.442695020e+00, v24  }
0xf9: {  	v22 =	vand.u32 $0x7FFFFFFF, v9;
	v10 =	vadd.f32 v26, v10;
	v31 =	vmul.f32 $-1.442695020e+00, v15;
	v27 =	vpop (erf)  }
0xfa: {  	s23 =	simm.s32 $0x100;
	v15 =	vmul.f32 v35, v34;
	v28 =	vmul.f32 $-1.442695020e+00, v22;
	v26 =	vpop (erf)  }
0xfb: {  	s24 =	simm.s32 $0x600;
	v22 =	vld [tilespmem:s23+$0xBC70];
	(erf) = vpow2.f32 v36;
	v33 =	vand.u32 $0x7FFFFFFF, v8;
	v32 =	vand.u32 $0x7FFFFFFF, v10;
	v24 =	vpop (erf)  }
.LBB2_9:
0xfc: {  	p0 =	sne.s32 s24, $0x4E00;
	v34 =	vld [tilespmem:s23+$0xD070];
	v18 =	vand.u32 $0x80000000, v18;
	v33 =	vmul.f32 $-1.442695020e+00, v33;
	v32 =	vmul.f32 $-1.442695020e+00, v32  }
0xfd: {  	v19 =	vand.u32 $0x80000000, v19;
	v25 =	vmul.f32 v25, v12;
	v35 =	vld [tilespmem:s23+$0xBC00];
	(erf) = vpow2.f32 v29  }
0xfe: {  	v23 =	vsub.f32 $1.000000000e+00, v23;
	v27 =	vmul.f32 v27, v16;
	v12 =	vld [tilespmem:s23+$0xE470];
	(erf) = vpow2.f32 v30  }
0xff: {  	v17 =	vand.u32 $0x80000000, v17;
	v26 =	vmul.f32 v26, v14;
	v16 =	vld [tilespmem:s23+$0xD000];
	(erf) = vpow2.f32 v31;
	v29 =	vpop (erf)  }
0x100: {  	v11 =	vand.u32 $0x80000000, v11;
	v14 =	vld [tilespmem:s23+$0xBC10];
	v23 =	vmul.f32 v29, v23;
	(erf) = vpow2.f32 v28  }
0x101: {  	v6 =	vand.u32 $0x80000000, v6;
	v28 =	vld [tilespmem:s23+$0xD010];
	v22 =	vadd.f32 v34, v22;
	(erf) = vpow2.f32 v33  }
0x102: {  	v24 =	vmul.f32 v24, v13;
	v29 =	vld [tilespmem:s23+$0xBC20];
	v23 =	vor.u32 v23, v6;
	(erf) = vpow2.f32 v32  }
0x103: {  	v9 =	vand.u32 $0x80000000, v9;
	v13 =	vld [tilespmem:s23+$0xD020];
	v6 =	vadd.f32 v12, v22;
	v22 =	vand.u32 $0x80000000, v8;
	[tilespmem:s22+$0x10C70] =	vst v23  }
0x104: {  	v32 =	vand.u32 $0x80000000, v10;
	v23 =	vor.u32 v21, v5;
	v8 =	vadd.f32 v16, v35;
	v12 =	vld [tilespmem:s23+$0xBC30];
	v10 =	vpop (erf)  }
0x105: {  	v5 =	vmovc v18;
	v16 =	vld [tilespmem:s23+$0xD030];
	v31 =	vand.u32 $0x7FFFFFFF, v6;
	v30 =	vsub.f32 $1.000000000e+00, v10;
	v33 =	vadd.f32 $1.000000000e+00, v10;
	[tilespmem:s21+$0x10C00] =	vst v23  }
0x106: {  	v7 =	vor.u32 v20, v7;
	v28 =	vadd.f32 v28, v14;
	v14 =	vld [tilespmem:s23+$0xBC40];
	v23 =	vmul.f32 $-1.442695020e+00, v31;
	v21 =	vpop (erf)  }
0x107: {  	v20 =	vld [tilespmem:s23+$0xD040];
	v31 =	vsub.f32 $1.000000000e+00, v21;
	v35 =	vadd.f32 $1.000000000e+00, v21;
	(erf) = vrcp.f32 v33;
	v10 =	vpop (erf);
	[tilespmem:s21+$0x10C10] =	vst v7  }
0x108: {  	v29 =	vadd.f32 v13, v29;
	v13 =	vld [tilespmem:s23+$0xBC50];
	(erf) = vpow2.f32 v23;
	v7 =	vadd.f32 $1.000000000e+00, v10;
	v18 =	vpop (erf)  }
0x109: {  	v34 =	vsub.f32 $1.000000000e+00, v10;
	v23 =	vld [tilespmem:s23+$0xD050];
	v38 =	vadd.f32 $1.000000000e+00, v18;
	(erf) = vrcp.f32 v35;
	v21 =	vpop (erf)  }
0x10a: {  	v33 =	vadd.f32 v16, v12;
	v35 =	vld [tilespmem:s23+$0xBC60];
	v16 =	vadd.f32 $1.000000000e+00, v21;
	(erf) = vrcp.f32 v7;
	v36 =	vpop (erf)  }
0x10b: {  	v12 =	vsub.f32 $1.000000000e+00, v18;
	v37 =	vld [tilespmem:s23+$0xD060];
	v18 =	vadd.f32 $1.000000000e+00, v36;
	(erf) = vrcp.f32 v38;
	v10 =	vpop (erf)  }
0x10c: {  	v38 =	vld [tilespmem:s23+$0xE400];
	v39 =	vadd.f32 v20, v14;
	v20 =	vadd.f32 $1.000000000e+00, v10;
	(erf) = vrcp.f32 v16;
	v7 =	vmovc v19  }
0x10d: {  	v16 =	vsub.f32 $1.000000000e+00, v21;
	v14 =	vsub.f32 $1.000000000e+00, v36;
	v19 =	vld [tilespmem:s23+$0xE410];
	(erf) = vrcp.f32 v18  }
0x10e: {  	v36 =	vld [tilespmem:s23+$0xE420];
	v40 =	vadd.f32 v23, v13;
	v13 =	vsub.f32 $1.000000000e+00, v10;
	(erf) = vrcp.f32 v20  }
0x10f: {  	v15 =	vor.u32 v15, v1;
	v1 =	vmovc v17;
	v0 =	vor.u32 v27, v0;
	v20 =	vor.u32 v25, v3;
	v10 =	vld [tilespmem:s23+$0xE430]  }
0x110: {  	v2 =	vor.u32 v26, v2;
	v4 =	vor.u32 v24, v4;
	v27 =	vld [tilespmem:s23+$0xE440];
	v35 =	vadd.f32 v37, v35;
	v17 =	vpop (erf);
	[tilespmem:s21+$0x10C20] =	vst v15  }
0x111: {  	v3 =	vmov v11;
	v18 =	vadd.f32 v38, v8;
	v8 =	vld [tilespmem:s23+$0xE450];
	v23 =	vpop (erf);
	v21 =	vmul.f32 v17, v30;
	[tilespmem:s21+$0x10C30] =	vst v20  }
0x112: {  	v19 =	vadd.f32 v19, v28;
	v15 =	vld [tilespmem:s23+$0xE460];
	v24 =	vadd.f32 $1.000000000e+00, v23;
	v11 =	vpop (erf);
	[tilespmem:s21+$0x10C40] =	vst v0;
	v0 =	vmov v9  }
0x113: {  	v9 =	vand.u32 $0x7FFFFFFF, v18;
	v17 =	vadd.f32 v36, v29;
	v20 =	vmul.f32 v11, v31;
	v36 =	vpop (erf);
	[tilespmem:s21+$0x10C50] =	vst v2  }
0x114: {  	v2 =	vand.u32 $0x7FFFFFFF, v19;
	v11 =	vadd.f32 v10, v33;
	(erf) = vrcp.f32 v24;
	v25 =	vpop (erf);
	[tilespmem:s21+$0x10C60] =	vst v4;
	s21 =	smov.u32 s22;
	s22 =	smov.u32 s23  }
.Ltmp4:
0x115: {  	v37 =	vmul.f32 $-1.442695020e+00, v9;
	v4 =	vand.u32 $0x7FFFFFFF, v17;
	v9 =	vadd.f32 v27, v39;
	v27 =	vpop (erf);
	(pc) =	sbr.rel @p0 .LBB2_9-.Ltmp4, $4  }
0x116: {  	v29 =	vmul.f32 $-1.442695020e+00, v2;
	v38 =	vand.u32 $0x7FFFFFFF, v11;
	v8 =	vadd.f32 v8, v40;
	v26 =	vpop (erf)  }
0x117: {  	v30 =	vmul.f32 $-1.442695020e+00, v4;
	v39 =	vand.u32 $0x7FFFFFFF, v9;
	v10 =	vadd.f32 v15, v35;
	v24 =	vpop (erf)  }
0x118: {  	s23 =	sshra.s32 s24, $0x2;
	v31 =	vmul.f32 $-1.442695020e+00, v38;
	v2 =	vmovc v22;
	v28 =	vmul.f32 $-1.442695020e+00, v39;
	v33 =	vand.u32 $0x7FFFFFFF, v8;
	v4 =	vmovc v32  }
0x119: {  	s24 =	sadd.s32 $0x200, s24;
	v15 =	vmul.f32 v36, v34;
	v22 =	vld [tilespmem:s23+$0xBC70];
	v32 =	vand.u32 $0x7FFFFFFF, v10;
	(erf) = vpow2.f32 v37  }
0x11a: {  	v34 =	vld [tilespmem:s23+$0xD070]  }
0x11b: {  	v35 =	vld [tilespmem:s23+$0xBC00]  }
0x11c: {  	v36 =	vld [tilespmem:s23+$0xE470];
	v23 =	vsub.f32 $1.000000000e+00, v23  }
0x11d: {  	v37 =	vld [tilespmem:s23+$0xD000];
	v38 =	vpop (erf)  }
0x11e: {  	v39 =	vld [tilespmem:s23+$0xBC10];
	v23 =	vmul.f32 v38, v23  }
0x11f: {  	v63 =	vld [tilespmem:s23+$0xD010];
	v6 =	vand.u32 $0x80000000, v6  }
0x120: {  	v40 =	vld [tilespmem:s23+$0xBC20];
	(erf) = vpow2.f32 v29;
	v6 =	vor.u32 v23, v6  }
0x121: {  	v43 =	vld [tilespmem:s23+$0xD020];
	(erf) = vpow2.f32 v30;
	[tilespmem:s22+$0x10C70] =	vst v6  }
0x122: {  	v44 =	vmul.f32 $-1.442695020e+00, v33;
	v21 =	vor.u32 v21, v5;
	(erf) = vpow2.f32 v31;
	v45 =	vld [tilespmem:s23+$0xBC30]  }
0x123: {  	v47 =	vmul.f32 $-1.442695020e+00, v32;
	(erf) = vpow2.f32 v28;
	v22 =	vadd.f32 v34, v22;
	v46 =	vld [tilespmem:s23+$0xD030];
	[tilespmem:s21+$0x10C00] =	vst v21  }
0x124: {  	v7 =	vor.u32 v20, v7;
	(erf) = vpow2.f32 v44;
	v48 =	vld [tilespmem:s23+$0xBC40]  }
0x125: {  	(erf) = vpow2.f32 v47;
	v5 =	vadd.f32 v36, v22;
	v51 =	vld [tilespmem:s23+$0xD040];
	[tilespmem:s21+$0x10C10] =	vst v7  }
0x126: {  	v12 =	vmul.f32 v25, v12;
	v21 =	vpop (erf);
	v7 =	vld [tilespmem:s23+$0xBC50]  }
0x127: {  	v16 =	vmul.f32 v27, v16;
	v49 =	vand.u32 $0x7FFFFFFF, v5;
	v50 =	vadd.f32 $1.000000000e+00, v21;
	v53 =	vld [tilespmem:s23+$0xD050]  }
0x128: {  	v14 =	vmul.f32 v26, v14;
	v52 =	vmul.f32 $-1.442695020e+00, v49;
	v55 =	vld [tilespmem:s23+$0xBC60]  }
0x129: {  	v13 =	vmul.f32 v24, v13;
	v30 =	vpop (erf);
	v60 =	vld [tilespmem:s23+$0xE400];
	(erf) = vrcp.f32 v50  }
0x12a: {  	v58 =	vadd.f32 v37, v35;
	v61 =	vadd.f32 v63, v39;
	v27 =	vpop (erf);
	v63 =	vld [tilespmem:s23+$0xE410];
	(erf) = vpow2.f32 v52  }
0x12b: {  	v18 =	vand.u32 $0x80000000, v18;
	v23 =	vadd.f32 v43, v40;
	v54 =	vadd.f32 $1.000000000e+00, v30;
	v43 =	vld [tilespmem:s23+$0xE420];
	v26 =	vpop (erf)  }
0x12c: {  	v1 =	vor.u32 v15, v1;
	v44 =	vld [tilespmem:s23+$0xE430];
	v56 =	vadd.f32 $1.000000000e+00, v27;
	v59 =	vadd.f32 $1.000000000e+00, v26;
	v25 =	vpop (erf)  }
0x12d: {  	v3 =	vor.u32 v12, v3;
	v57 =	vld [tilespmem:s23+$0xD060];
	v62 =	vadd.f32 $1.000000000e+00, v25;
	v24 =	vpop (erf);
	v28 =	vadd.f32 v46, v45  }
0x12e: {  	(erf) = vrcp.f32 v54;
	v42 =	vadd.f32 $1.000000000e+00, v24;
	v20 =	vadd.f32 v51, v48;
	v45 =	vpop (erf)  }
0x12f: {  	v46 =	vld [tilespmem:s23+$0xE440];
	[tilespmem:s21+$0x10C20] =	vst v1;
	(erf) = vrcp.f32 v56;
	v6 =	vadd.f32 v53, v7;
	v47 =	vadd.f32 $1.000000000e+00, v45  }
0x130: {  	v49 =	vld [tilespmem:s23+$0xE450];
	[tilespmem:s21+$0x10C30] =	vst v3;
	(erf) = vrcp.f32 v59;
	v12 =	vadd.f32 v60, v58;
	v3 =	vadd.f32 v63, v61  }
0x131: {  	v23 =	vadd.f32 v43, v23;
	v22 =	vadd.f32 v44, v28;
	(erf) = vrcp.f32 v62  }
0x132: {  	v31 =	vadd.f32 v57, v55;
	v51 =	vld [tilespmem:s23+$0xE460];
	(erf) = vrcp.f32 v42;
	v52 =	vand.u32 $0x7FFFFFFF, v12;
	v48 =	vpop (erf)  }
0x133: {  	v53 =	vand.u32 $0x7FFFFFFF, v3;
	v55 =	vand.u32 $0x7FFFFFFF, v23;
	v57 =	vand.u32 $0x7FFFFFFF, v22;
	v35 =	vpop (erf)  }
0x134: {  	(erf) = vrcp.f32 v47;
	v54 =	vmul.f32 $-1.442695020e+00, v52;
	v50 =	vadd.f32 $1.000000000e+00, v35  }
0x135: {  	v15 =	vadd.f32 v46, v20;
	v56 =	vmul.f32 $-1.442695020e+00, v53;
	v28 =	vmul.f32 $-1.442695020e+00, v55  }
0x136: {  	v59 =	vmul.f32 $-1.442695020e+00, v57;
	v6 =	vadd.f32 v49, v6;
	(erf) = vrcp.f32 v50  }
0x137: {  	v58 =	vand.u32 $0x7FFFFFFF, v15;
	v7 =	vadd.f32 v51, v31;
	(erf) = vpow2.f32 v54  }
0x138: {  	v61 =	vmul.f32 $-1.442695020e+00, v58;
	v62 =	vand.u32 $0x7FFFFFFF, v6;
	(erf) = vpow2.f32 v56  }
0x139: {  	v60 =	vpop (erf);
	v40 =	vand.u32 $0x7FFFFFFF, v7;
	v33 =	vmul.f32 $-1.442695020e+00, v62;
	(erf) = vpow2.f32 v28  }
0x13a: {  	v19 =	vand.u32 $0x80000000, v19;
	v63 =	vpop (erf);
	v34 =	vmul.f32 $-1.442695020e+00, v40;
	(erf) = vpow2.f32 v59  }
0x13b: {  	v17 =	vand.u32 $0x80000000, v17;
	v11 =	vand.u32 $0x80000000, v11;
	v41 =	vpop (erf);
	(erf) = vpow2.f32 v61  }
0x13c: {  	v9 =	vand.u32 $0x80000000, v9;
	v8 =	vand.u32 $0x80000000, v8;
	v42 =	vpop (erf);
	(erf) = vpow2.f32 v33  }
0x13d: {  	v10 =	vand.u32 $0x80000000, v10;
	v21 =	vsub.f32 $1.000000000e+00, v21;
	v43 =	vpop (erf);
	(erf) = vpow2.f32 v34  }
0x13e: {  	v0 =	vor.u32 v16, v0;
	v30 =	vsub.f32 $1.000000000e+00, v30;
	v27 =	vsub.f32 $1.000000000e+00, v27;
	v34 =	vpop (erf)  }
0x13f: {  	v2 =	vor.u32 v14, v2;
	v26 =	vsub.f32 $1.000000000e+00, v26;
	v25 =	vsub.f32 $1.000000000e+00, v25;
	v44 =	vpop (erf)  }
0x140: {  	v4 =	vor.u32 v13, v4;
	v24 =	vsub.f32 $1.000000000e+00, v24;
	v29 =	vsub.f32 $1.000000000e+00, v45;
	v45 =	vpop (erf)  }
0x141: {  	v12 =	vand.u32 $0x80000000, v12;
	v1 =	vmul.f32 v48, v21;
	v47 =	vadd.f32 $1.000000000e+00, v45;
	v48 =	vpop (erf)  }
0x142: {  	v3 =	vand.u32 $0x80000000, v3;
	v52 =	vsub.f32 $1.000000000e+00, v35;
	v50 =	vadd.f32 $1.000000000e+00, v48;
	v51 =	vpop (erf)  }
0x143: {  	v46 =	vmul.f32 v60, v30;
	(erf) = vrcp.f32 v47;
	v53 =	vadd.f32 $1.000000000e+00, v51;
	v54 =	vpop (erf)  }
0x144: {  	v60 =	vand.u32 $0x80000000, v5;
	v55 =	vadd.f32 $1.000000000e+00, v54;
	(erf) = vrcp.f32 v50;
	v56 =	vpop (erf)  }
0x145: {  	[tilespmem:s21+$0x10C40] =	vst v0;
	v57 =	vmul.f32 v44, v52;
	v58 =	vadd.f32 $1.000000000e+00, v56;
	(erf) = vrcp.f32 v53;
	v59 =	vpop (erf)  }
0x146: {  	[tilespmem:s21+$0x10C50] =	vst v2;
	v49 =	vmul.f32 v63, v27;
	v61 =	vadd.f32 $1.000000000e+00, v59;
	(erf) = vrcp.f32 v55;
	v62 =	vpop (erf)  }
0x147: {  	[tilespmem:s21+$0x10C60] =	vst v4;
	v0 =	vor.u32 v57, v60;
	v63 =	vadd.f32 $1.000000000e+00, v62;
	(erf) = vrcp.f32 v58  }
0x148: {  	v37 =	vor.u32 v1, v18;
	v40 =	vand.u32 $0x80000000, v23;
	[tilespmem:s23+$0x10C70] =	vst v0;
	(erf) = vrcp.f32 v61  }
0x149: {  	v31 =	vmul.f32 v41, v26;
	v39 =	vor.u32 v46, v19;
	[tilespmem:s22+$0x10C00] =	vst v37;
	(erf) = vrcp.f32 v63  }
0x14a: {  	v38 =	vmul.f32 v42, v25;
	v42 =	vor.u32 v49, v17;
	v41 =	vmul.f32 v43, v24;
	[tilespmem:s22+$0x10C10] =	vst v39  }
0x14b: {  	v43 =	vand.u32 $0x80000000, v22;
	v4 =	vor.u32 v31, v11;
	v13 =	vsub.f32 $1.000000000e+00, v45;
	[tilespmem:s22+$0x10C20] =	vst v42  }
0x14c: {  	v1 =	vor.u32 v38, v9;
	v44 =	vmul.f32 v34, v29;
	v45 =	vsub.f32 $1.000000000e+00, v48;
	[tilespmem:s22+$0x10C30] =	vst v4;
	v46 =	vpop (erf)  }
0x14d: {  	v5 =	vor.u32 v41, v8;
	v47 =	vsub.f32 $1.000000000e+00, v51;
	[tilespmem:s22+$0x10C40] =	vst v1;
	v48 =	vmul.f32 v46, v13;
	v49 =	vpop (erf)  }
0x14e: {  	v0 =	vor.u32 v44, v10;
	v50 =	vsub.f32 $1.000000000e+00, v54;
	[tilespmem:s22+$0x10C50] =	vst v5;
	v9 =	vmul.f32 v49, v45;
	v51 =	vpop (erf)  }
0x14f: {  	[tilespmem:s22+$0x10C60] =	vst v0;
	v52 =	vsub.f32 $1.000000000e+00, v56;
	v53 =	vpop (erf);
	v54 =	vmul.f32 v51, v47;
	v55 =	vor.u32 v48, v12  }
0x150: {  	v56 =	vsub.f32 $1.000000000e+00, v59;
	v57 =	vpop (erf);
	v1 =	vmul.f32 v53, v50;
	[tilespmem:s23+$0x10C00] =	vst v55;
	v3 =	vor.u32 v9, v3  }
0x151: {  	s19 =	sadd.s32 $0x1, s19;
	v58 =	vsub.f32 $1.000000000e+00, v62;
	v59 =	vpop (erf);
	v5 =	vmul.f32 v57, v52;
	[tilespmem:s23+$0x10C10] =	vst v3;
	v0 =	vor.u32 v54, v40  }
0x152: {  	s20 =	smul.u32 $0x28, s20;
	p0 =	sne.s32 s19, $0x7D;
	v60 =	vand.u32 $0x80000000, v15;
	v61 =	vpop (erf);
	v8 =	vmul.f32 v59, v56;
	v1 =	vor.u32 v1, v43;
	[tilespmem:s23+$0x10C20] =	vst v0  }
.Ltmp5:
0x153: {  	v62 =	vand.u32 $0x80000000, v6;
	v3 =	vmul.f32 v61, v58;
	v2 =	vor.u32 v5, v60;
	[tilespmem:s23+$0x10C30] =	vst v1;
	(pc) =	sbr.rel @p0 .LBB2_2-.Ltmp5, $4  }
0x154: {  	s20 =	sadd.s32 s5, s20;
	v63 =	vand.u32 $0x80000000, v7;
	v0 =	vor.u32 v8, v62;
	[tilespmem:s23+$0x10C40] =	vst v2  }
0x155: {  	s20 =	sshll.u32 s20, $0x4;
	v1 =	vor.u32 v3, v63;
	[tilespmem:s23+$0x10C50] =	vst v0  }
0x156: {  	s20 =	sadd.s32 s2, s20;
	[tilespmem:s23+$0x10C60] =	vst v1  }
0x157: {  	[hbm4b:s20+s3] =	stream.linear.scatter [tilespmem:s16], [sflag:$0x4], $0x1400, $0x38;
	[tilespmem:$0x12000] =	vst v63  }
0x158: {  	s18 =	sadd.s32 $0x1, s18  }
0x159: {  	_ =	swait.ge [sflag:s17], $0x1400;
	p0 =	sne.s32 s18, s7  }
.Ltmp6:
0x15a: {  	[sflag:s17] =	ssyncset.done $0x0;
	(pc) =	sbr.rel @p0 .LBB2_1-.Ltmp6, $4  }
0x15b: {  	[sflag:s17] =	ssyncadd.s32 $0xFFFFEC00  }
0x15c: {  	_ =	swait.ge [sflag:s15], $0x1400  }
0x15d: {  	[sflag:s15] =	ssyncset.done $0x0  }
0x15e: {  	[sflag:s15] =	ssyncadd.s32 $0xFFFFEC00  }
0x15f: {  	_ =	sfence.sel $0x180000  }
0x160: {  	[bflag:$0x0] =	sbarrier.arrive $0xFFFF  }
0x161: {  	p0 =	sne.s32 s1, $0x0;
	_ =	strace $0x90000047  }
0x162: {  	s0 =	sadd.s32 @!p0 $0x100000, s0;
	[bflag:$0x2] =	sbarrier.arrive $0xFFFF  }
0x163: {  	[sflag:s0] =	ssyncadd.tile.s32 @!p0 $0x1;
	_ =	shalt  }
.Lfunc_end2:
_tile_overlayer_lowered:
.L_overlay_start_2:
0x164: {  	(tag) =	ssettag $0x2  }
0x165: {  	s0 =	rddreg [dreg:$0x0];
	s2 =	stileid.u32  }
0x166: {  	s1 =	rddreg [dreg:$0x1];
	p0 =	sne.s32 s2, $0x0  }
0x167: {  	s3 =	rddreg [dreg:$0x2];
	[bflag:$0x3] =	sbarrier.arrive $0xFFFF;
	s2 =	simm.s32 @!p0 $0x1C05  }
0x168: {  	[timem:s3], [sflag:s2] =	dma.local @!p0 [hbm:s0], s1  }
0x169: {  	s0 =	simm.s32 @!p0 $0x5  }
0x16a: {  	_ =	swait.ge @!p0 [sflag:s0], s1  }
0x16b: {  	s1 =	ssub.s32 @!p0 $0x0, s1;
	[sflag:s0] =	ssyncset.done @!p0 $0x0  }
0x16c: {  	[sflag:s0] =	ssyncadd.s32 @!p0 s1  }
0x16d: {  	[bflag:$0x3] =	sbarrier.arrive $0xFFFF  }
0x16e: {  	_ =	shalt  }

</sc_bundles>
